<compile_context>
chip_gen: v7x
topology: tpu7x:2x2x1
jax: 0.10.2.dev20260603
libtpu: 0.0.44.dev20260713+nightly
codegen_flags: <defaults>
</compile_context>

<pallas_src>
import functools

import jax
import jax.numpy as jnp
from jax import lax
from jax.experimental import pallas as pl
from jax.experimental.pallas import tpu as pltpu
from jax.experimental.pallas import tpu_sc as plsc

VOCAB = 1000000
D = 64
NCLS = 100
B = 16384
H = 50

TBN = 16384
NB = 16
Q = NB * TBN
TOT = 4 * Q

NC, NS = 2, 16
NW = NC * NS
SPW = B // NW
CH = 16
NCHUNK = SPW // CH
RPC = CH * H


def _sc_pool_sums(table, xf):
  mesh = plsc.VectorSubcoreMesh(
      core_axis_name="c", subcore_axis_name="s", num_cores=NC, num_subcores=NS
  )
  fmt = plsc.PackFormat.INTERLEAVED

  @functools.partial(
      pl.kernel,
      out_type=jax.ShapeDtypeStruct((B, D), jnp.float32),
      mesh=mesh,
      scratch_types=[
          pltpu.VMEM((2, RPC), jnp.int32),
          pltpu.VMEM((2, RPC, 32), jnp.int32),
          pltpu.VMEM((CH, D), jnp.float32),
          pltpu.SemaphoreType.DMA,
          pltpu.SemaphoreType.DMA,
      ],
      compiler_params=pltpu.CompilerParams(
          use_tc_tiling_on_sc=False, needs_layout_passes=False
      ),
  )
  def k(table_hbm, xf_hbm, out_hbm, idx_v, rows_v, pool_v, sem0, sem1):
    wid = lax.axis_index("s") * NC + lax.axis_index("c")
    sems = (sem0, sem1)

    def load(cc, slot):
      rbase = (wid * SPW + cc * CH) * H
      pltpu.sync_copy(xf_hbm.at[pl.ds(rbase, RPC)], idx_v.at[slot])

      @pl.loop(0, RPC // 16)
      def _remap(t):
        v = idx_v[slot, pl.ds(t * 16, 16)]
        kq = (
            (v >= Q).astype(jnp.int32)
            + (v >= 2 * Q).astype(jnp.int32)
            + (v >= 3 * Q).astype(jnp.int32)
        )
        idx_v[slot, pl.ds(t * 16, 16)] = 4 * v - kq * (4 * Q - 1)

      for j in range(RPC // 80):
        pltpu.async_copy(
            table_hbm.at[idx_v.at[slot].at[pl.ds(j * 80, 80)]],
            rows_v.at[slot].at[pl.ds(j * 80, 80)],
            sems[slot],
        )

    def drain(slot):
      pltpu.make_async_copy(
          table_hbm.at[pl.ds(0, RPC)], rows_v.at[slot], sems[slot]
      ).wait()

    def pool_store(cc, slot):
      @pl.loop(0, CH)
      def _sample(s):
        base = s * H

        def body(l, accs):
          r = base + l * 5
          out = accs
          for u in range(5):
            new = []
            for v in range(2):
              bf = plsc.bitcast(
                  rows_v[slot, r + u, pl.ds(v * 16, 16)], jnp.bfloat16
              )
              ua, ub = plsc.unpack(bf, format=fmt)
              new.append(out[2 * v] + ua)
              new.append(out[2 * v + 1] + ub)
            out = tuple(new)
          return out

        accs = lax.fori_loop(
            0, H // 5, body,
            tuple(jnp.zeros((16,), jnp.float32) for _ in range(4)),
        )
        for v in range(4):
          pool_v[s, pl.ds(v * 16, 16)] = accs[v]

      sbase = wid * SPW + cc * CH
      pltpu.sync_copy(pool_v, out_hbm.at[pl.ds(sbase, CH)])

    load(0, 0)

    @pl.loop(0, NCHUNK, step=2)
    def _chunk(c):
      for b in range(2):
        cc = c + b

        @pl.when(cc + 1 < NCHUNK)
        def _():
          load(cc + 1, (b + 1) % 2)

        drain(b)
        pool_store(cc, b)

  return k(table, xf)


def _tc_repack(tt, pe, po):
  bn = TBN
  nlast = (VOCAB - 1) // bn
  dn = (((0,), (0,)), ((), ()))

  def body(a_ref, b_ref, c_ref, d_ref, pe_ref, po_ref, o_ref):
    s4 = jnp.concatenate(
        [a_ref[...], b_ref[...], c_ref[...], d_ref[...]], axis=0
    ).astype(jnp.bfloat16)
    ev = lax.dot_general(s4, pe_ref[...], dn, preferred_element_type=jnp.float32)
    od = lax.dot_general(s4, po_ref[...], dn, preferred_element_type=jnp.float32)
    ue = lax.bitcast_convert_type(ev, jnp.uint32)
    uo = lax.bitcast_convert_type(od, jnp.uint32)
    w = (ue >> jnp.uint32(16)) | (uo & jnp.uint32(0xFFFF0000))
    o_ref[...] = lax.bitcast_convert_type(w, jnp.int32)

  def make_map(kq):
    return lambda i: (0, jnp.minimum(kq * NB + i, nlast))

  return pl.pallas_call(
      body,
      grid=(NB,),
      in_specs=[
          pl.BlockSpec((D, bn), make_map(0)),
          pl.BlockSpec((D, bn), make_map(1)),
          pl.BlockSpec((D, bn), make_map(2)),
          pl.BlockSpec((D, bn), make_map(3)),
          pl.BlockSpec((256, 128), lambda i: (0, 0)),
          pl.BlockSpec((256, 128), lambda i: (0, 0)),
      ],
      out_specs=pl.BlockSpec((bn, 128), lambda i: (i, 0)),
      out_shape=jax.ShapeDtypeStruct((Q, 128), jnp.int32),
      compiler_params=pltpu.CompilerParams(vmem_limit_bytes=100 * 1024 * 1024),
  )(tt, tt, tt, tt, pe, po)


def _tc_linear(pooled, wt_perm, b_pad):
  bm = 2048

  def body(p_ref, wt_ref, b_ref, o_ref):
    acc = jnp.dot(p_ref[...], wt_ref[...], preferred_element_type=jnp.float32)
    o_ref[...] = acc * (1.0 / H) + b_ref[...]

  return pl.pallas_call(
      body,
      grid=(B // bm,),
      in_specs=[
          pl.BlockSpec((bm, D), lambda i: (i, 0)),
          pl.BlockSpec((D, 128), lambda i: (0, 0)),
          pl.BlockSpec((1, 128), lambda i: (0, 0)),
      ],
      out_specs=pl.BlockSpec((bm, 128), lambda i: (i, 0)),
      out_shape=jax.ShapeDtypeStruct((B, 128), jnp.float32),
  )(pooled, wt_perm, b_pad)


def kernel(x, table, W, b):
  xi = x.astype(jnp.int32)

  kk = lax.broadcasted_iota(jnp.int32, (256, 128), 0)
  jj = lax.broadcasted_iota(jnp.int32, (256, 128), 1)
  pe = (kk == (jj // 32) * D + 2 * (jj % 32)).astype(jnp.bfloat16)
  po = (kk == (jj // 32) * D + 2 * (jj % 32) + 1).astype(jnp.bfloat16)

  tab = _tc_repack(table.T, pe, po).reshape(TOT, 32)
  pooled = _sc_pool_sums(tab, xi.reshape(-1))

  t16 = jnp.arange(16, dtype=jnp.int32)
  grp = jnp.concatenate([2 * t16, 2 * t16 + 1])
  perm = jnp.concatenate([grp, 32 + grp])
  wt_pad = jnp.zeros((D, 128), jnp.float32).at[:, :NCLS].set(W.T)
  wt_perm = jnp.take(wt_pad, perm, axis=0)
  b_pad = jnp.zeros((1, 128), jnp.float32).at[:, :NCLS].set(b.reshape(1, -1))
  out = _tc_linear(pooled, wt_perm, b_pad)
  return out[:, :NCLS]

# --- scband reference (transcript-rebuilt; emitter-appended) ---
"""Pipeline reference for scband-emb-38216619000434 (READ-ONLY COPY).

The authoritative reference and input builder live on the scoring server;
editing this copy changes nothing except your own understanding.
"""

import jax, jax.numpy as jnp
import numpy as np

VOCAB = 1000000
EMBED_DIM = 64
NUM_CLASS = 100
BATCH = 16384
HIST = 50

def setup_inputs(seed: int = 0) -> dict:
    key = jax.random.key(seed)
    k1, k2, k3, k4 = jax.random.split(key, 4)
    x = jax.random.randint(k1, (BATCH, HIST), 0, VOCAB, dtype=jnp.int64 if jax.config.jax_enable_x64 else jnp.int32)
    table = jax.random.normal(k2, (VOCAB, EMBED_DIM), dtype=jnp.float32)
    # torch Linear: weight [num_class, embed_dim], bias [num_class]
    bound = 1.0 / np.sqrt(EMBED_DIM)
    W = jax.random.uniform(k3, (NUM_CLASS, EMBED_DIM), minval=-bound, maxval=bound, dtype=jnp.float32)
    b = jax.random.uniform(k4, (NUM_CLASS,), minval=-bound, maxval=bound, dtype=jnp.float32)
    return {"x": x, "table": table, "W": W, "b": b}

def reference(x, table, W, b):
    # embedding gather: [B, L, D]
    emb = jnp.take(table, x, axis=0)
    # mean over sequence dim
    pooled = jnp.mean(emb, axis=1)
    # linear: pooled @ W.T + b
    return pooled @ W.T + b

if __name__ == "__main__":
    import jax
    _d = setup_inputs()
    print(jax.jit(kernel)(*tuple(_d.values())))

</pallas_src>

<mosaic_0001>
#map = affine_map<(d0, d1) -> (0, 0)>
#map1 = affine_map<(d0, d1) -> (0)>
module attributes {stable_mosaic.version = 14 : i64} {
  func.func @k(%arg0: i32, %arg1: i32, %arg2: memref<1048576x32xi32, #tpu.memory_space<hbm>>, %arg3: memref<819200xi32, #tpu.memory_space<hbm>>, %arg4: memref<16384x64xf32, #tpu.memory_space<hbm>>, %arg5: memref<2x800xi32, #tpu.memory_space<vmem>>, %arg6: memref<2x800x32xi32, #tpu.memory_space<vmem>>, %arg7: memref<16x64xf32, #tpu.memory_space<vmem>>, %arg8: memref<!tpu.dma_semaphore, #tpu.memory_space<semaphore_mem>>, %arg9: memref<!tpu.dma_semaphore, #tpu.memory_space<semaphore_mem>>) attributes {dimension_semantics = [#tpu.dimension_semantics<core_parallel>, #tpu.dimension_semantics<subcore_parallel>], iteration_bounds = array<i64: 2, 16>, scalar_prefetch = 0 : i64, scratch_operands = 5 : i64, tpu.core_type = #tpu.core_type<sc_vector_subcore>, window_params = [{transform_indices = #map}, {transform_indices = #map1}, {transform_indices = #map}]} {
    %mul3A = arith.constant 2 : i32
    %mul3A_0 = arith.muli %arg1, %mul3A : i32
    %add3A = arith.addi %mul3A_0, %arg0 : i32
    %mul3A_1 = arith.constant 512 : i32
    %mul3A_2 = arith.muli %add3A, %mul3A_1 : i32
    %add3A_3 = arith.constant 0 : i32
    %add3A_4 = arith.addi %mul3A_2, %add3A_3 : i32
    %mul3A_5 = arith.constant 50 : i32
    %mul3A_6 = arith.muli %add3A_4, %mul3A_5 : i32
    %run_scoped3A = arith.constant 0 : i32
    "tpu.region"() ({
      %run_scoped3A_185 = tpu.sem_alloc : memref<!tpu.dma_semaphore, #tpu.memory_space<semaphore_mem>>
      %dma_start3A_186 = arith.constant 0 : i32
      %dma_start3A_187 = tpu.memref_slice %arg5[%run_scoped3A, %dma_start3A_186] : memref<2x800xi32, #tpu.memory_space<vmem>> -> memref<1x800xi32, #tpu.memory_space<vmem>>
      %dma_start3A_188 = tpu.memref_squeeze %dma_start3A_187 : memref<1x800xi32, #tpu.memory_space<vmem>> -> memref<800xi32, #tpu.memory_space<vmem>>
      %dma_start3A_189 = tpu.memref_slice %arg3[%mul3A_6] : memref<819200xi32, #tpu.memory_space<hbm>> -> memref<800xi32, #tpu.memory_space<hbm>>
      %dma_start3A_190 = arith.constant 0 : i32
      %dma_start3A_191 = tpu.memref_slice %arg5[%run_scoped3A, %dma_start3A_190] : memref<2x800xi32, #tpu.memory_space<vmem>> -> memref<1x800xi32, #tpu.memory_space<vmem>>
      %dma_start3A_192 = tpu.memref_squeeze %dma_start3A_191 : memref<1x800xi32, #tpu.memory_space<vmem>> -> memref<800xi32, #tpu.memory_space<vmem>>
      %dma_start3A_193 = tpu.memref_slice %arg3[%mul3A_6] : memref<819200xi32, #tpu.memory_space<hbm>> -> memref<800xi32, #tpu.memory_space<hbm>>
      tpu.enqueue_dma source(%dma_start3A_193 : memref<800xi32, #tpu.memory_space<hbm>>) target(%dma_start3A_192 : memref<800xi32, #tpu.memory_space<vmem>>) target_semaphore(%run_scoped3A_185 : memref<!tpu.dma_semaphore, #tpu.memory_space<semaphore_mem>>)
      %dma_wait3A = arith.constant 0 : i32
      %dma_wait3A_194 = tpu.memref_slice %arg5[%run_scoped3A, %dma_wait3A] : memref<2x800xi32, #tpu.memory_space<vmem>> -> memref<1x800xi32, #tpu.memory_space<vmem>>
      %dma_wait3A_195 = tpu.memref_squeeze %dma_wait3A_194 : memref<1x800xi32, #tpu.memory_space<vmem>> -> memref<800xi32, #tpu.memory_space<vmem>>
      %dma_wait3A_196 = tpu.memref_slice %arg3[%mul3A_6] : memref<819200xi32, #tpu.memory_space<hbm>> -> memref<800xi32, #tpu.memory_space<hbm>>
      %dma_wait3A_197 = arith.constant 0 : i32
      %dma_wait3A_198 = tpu.memref_slice %arg5[%run_scoped3A, %dma_wait3A_197] : memref<2x800xi32, #tpu.memory_space<vmem>> -> memref<1x800xi32, #tpu.memory_space<vmem>>
      %dma_wait3A_199 = tpu.memref_squeeze %dma_wait3A_198 : memref<1x800xi32, #tpu.memory_space<vmem>> -> memref<800xi32, #tpu.memory_space<vmem>>
      %dma_wait3A_200 = tpu.memref_slice %arg3[%mul3A_6] : memref<819200xi32, #tpu.memory_space<hbm>> -> memref<800xi32, #tpu.memory_space<hbm>>
      tpu.wait_dma2 semaphore(%run_scoped3A_185 : memref<!tpu.dma_semaphore, #tpu.memory_space<semaphore_mem>>) src(%dma_wait3A_200 : memref<800xi32, #tpu.memory_space<hbm>>) dst(%dma_wait3A_199 : memref<800xi32, #tpu.memory_space<vmem>>)
      tpu.yield
    }) : () -> ()
    %scan3A = arith.constant 0 : i32
    %scan3A_7 = arith.constant 50 : i32
    %scan3A_8 = arith.addi %scan3A, %scan3A_7 : i32
    %scan3A_9 = arith.constant 1 : i32
    scf.for %scan3A_185 = %scan3A to %scan3A_8 step %scan3A_9  : i32 {
      %mul3A_186 = arith.constant 1 : i32
      %mul3A_187 = arith.muli %scan3A_185, %mul3A_186 : i32
      %add3A_188 = arith.constant 0 : i32
      %add3A_189 = arith.addi %add3A_188, %mul3A_187 : i32
      %mul3A_190 = arith.constant 16 : i32
      %mul3A_191 = arith.muli %add3A_189, %mul3A_190 : i32
      %get3A = arith.constant 0 : i32
      %get3A_192 = arith.index_cast %get3A : i32 to index
      %get3A_193 = arith.index_cast %mul3A_191 : i32 to index
      %get3A_194 = tpu.vector_load %arg5[%get3A_192, %get3A_193] {strides = array<i32>} : memref<2x800xi32, #tpu.memory_space<vmem>>, vector<16xi32>,
      %ge3A = arith.constant 262144 : i32
      %ge3A_195 = vector.broadcast %ge3A : i32 to vector<16xi32>
      %ge3A_196 = arith.cmpi sge, %get3A_194, %ge3A_195 : vector<16xi32>
      %convert_element_type3A = arith.extui %ge3A_196 : vector<16xi1> to vector<16xi32>
      %ge3A_197 = arith.constant 524288 : i32
      %ge3A_198 = vector.broadcast %ge3A_197 : i32 to vector<16xi32>
      %ge3A_199 = arith.cmpi sge, %get3A_194, %ge3A_198 : vector<16xi32>
      %convert_element_type3A_200 = arith.extui %ge3A_199 : vector<16xi1> to vector<16xi32>
      %add3A_201 = arith.addi %convert_element_type3A, %convert_element_type3A_200 : vector<16xi32>
      %ge3A_202 = arith.constant 786432 : i32
      %ge3A_203 = vector.broadcast %ge3A_202 : i32 to vector<16xi32>
      %ge3A_204 = arith.cmpi sge, %get3A_194, %ge3A_203 : vector<16xi32>
      %convert_element_type3A_205 = arith.extui %ge3A_204 : vector<16xi1> to vector<16xi32>
      %add3A_206 = arith.addi %add3A_201, %convert_element_type3A_205 : vector<16xi32>
      %mul3A_207 = arith.constant 4 : i32
      %mul3A_208 = vector.broadcast %mul3A_207 : i32 to vector<16xi32>
      %mul3A_209 = arith.muli %mul3A_208, %get3A_194 : vector<16xi32>
      %mul3A_210 = arith.constant 1048575 : i32
      %mul3A_211 = vector.broadcast %mul3A_210 : i32 to vector<16xi32>
      %mul3A_212 = arith.muli %add3A_206, %mul3A_211 : vector<16xi32>
      %sub3A = arith.subi %mul3A_209, %mul3A_212 : vector<16xi32>
      %mul3A_213 = arith.constant 16 : i32
      %mul3A_214 = arith.muli %add3A_189, %mul3A_213 : i32
      %swap3A = arith.constant 0 : i32
      %swap3A_215 = arith.index_cast %swap3A : i32 to index
      %swap3A_216 = arith.index_cast %mul3A_214 : i32 to index
      %swap3A_217 = tpu.vector_load %arg5[%swap3A_215, %swap3A_216] {strides = array<i32>} : memref<2x800xi32, #tpu.memory_space<vmem>>, vector<16xi32>,
      tpu.vector_store %arg5[%swap3A_215, %swap3A_216], %sub3A {strides = array<i32>} : memref<2x800xi32, #tpu.memory_space<vmem>>, vector<16xi32>,
    }
    %scan3A_10 = arith.constant 50 : i32
    %dma_start3A = arith.constant 0 : i32
    %dma_start3A_11 = arith.constant 0 : i32
    %dma_start3A_12 = arith.constant 0 : i32
    %dma_start3A_13 = arith.constant 0 : i32
    %dma_start3A_14 = tpu.memref_slice %arg6[%dma_start3A_11, %dma_start3A_12, %dma_start3A_13] : memref<2x800x32xi32, #tpu.memory_space<vmem>> -> memref<1x800x32xi32, #tpu.memory_space<vmem>>
    %dma_start3A_15 = tpu.memref_squeeze %dma_start3A_14 : memref<1x800x32xi32, #tpu.memory_space<vmem>> -> memref<800x32xi32, #tpu.memory_space<vmem>>
    %dma_start3A_16 = arith.constant 0 : i32
    %dma_start3A_17 = arith.constant 0 : i32
    %dma_start3A_18 = tpu.memref_slice %dma_start3A_15[%dma_start3A_16, %dma_start3A_17] : memref<800x32xi32, #tpu.memory_space<vmem>> -> memref<80x32xi32, #tpu.memory_space<vmem>>
    %dma_start3A_19 = arith.constant 0 : i32
    %dma_start3A_20 = tpu.memref_slice %arg5[%dma_start3A, %dma_start3A_19] : memref<2x800xi32, #tpu.memory_space<vmem>> -> memref<1x800xi32, #tpu.memory_space<vmem>>
    %dma_start3A_21 = tpu.memref_squeeze %dma_start3A_20 : memref<1x800xi32, #tpu.memory_space<vmem>> -> memref<800xi32, #tpu.memory_space<vmem>>
    %dma_start3A_22 = arith.constant 0 : i32
    %dma_start3A_23 = tpu.memref_slice %dma_start3A_21[%dma_start3A_22] : memref<800xi32, #tpu.memory_space<vmem>> -> memref<80xi32, #tpu.memory_space<vmem>>
    %dma_start3A_24 = arith.constant 0 : i32
    %dma_start3A_25 = arith.constant 0 : i32
    %dma_start3A_26 = tpu.memref_slice %arg2[%dma_start3A_24, %dma_start3A_25] : memref<1048576x32xi32, #tpu.memory_space<hbm>> -> memref<1048576x32xi32, #tpu.memory_space<hbm>>
    tpu.enqueue_indirect_dma source(%dma_start3A_26 : memref<1048576x32xi32, #tpu.memory_space<hbm>>) target(%dma_start3A_18 : memref<80x32xi32, #tpu.memory_space<vmem>>) offsets(%dma_start3A_23 : memref<80xi32, #tpu.memory_space<vmem>>) semaphore(%arg8 : memref<!tpu.dma_semaphore, #tpu.memory_space<semaphore_mem>>)
    %dma_start3A_27 = arith.constant 0 : i32
    %dma_start3A_28 = arith.constant 0 : i32
    %dma_start3A_29 = arith.constant 0 : i32
    %dma_start3A_30 = arith.constant 0 : i32
    %dma_start3A_31 = tpu.memref_slice %arg6[%dma_start3A_28, %dma_start3A_29, %dma_start3A_30] : memref<2x800x32xi32, #tpu.memory_space<vmem>> -> memref<1x800x32xi32, #tpu.memory_space<vmem>>
    %dma_start3A_32 = tpu.memref_squeeze %dma_start3A_31 : memref<1x800x32xi32, #tpu.memory_space<vmem>> -> memref<800x32xi32, #tpu.memory_space<vmem>>
    %dma_start3A_33 = arith.constant 80 : i32
    %dma_start3A_34 = arith.constant 0 : i32
    %dma_start3A_35 = tpu.memref_slice %dma_start3A_32[%dma_start3A_33, %dma_start3A_34] : memref<800x32xi32, #tpu.memory_space<vmem>> -> memref<80x32xi32, #tpu.memory_space<vmem>>
    %dma_start3A_36 = arith.constant 0 : i32
    %dma_start3A_37 = tpu.memref_slice %arg5[%dma_start3A_27, %dma_start3A_36] : memref<2x800xi32, #tpu.memory_space<vmem>> -> memref<1x800xi32, #tpu.memory_space<vmem>>
    %dma_start3A_38 = tpu.memref_squeeze %dma_start3A_37 : memref<1x800xi32, #tpu.memory_space<vmem>> -> memref<800xi32, #tpu.memory_space<vmem>>
    %dma_start3A_39 = arith.constant 80 : i32
    %dma_start3A_40 = tpu.memref_slice %dma_start3A_38[%dma_start3A_39] : memref<800xi32, #tpu.memory_space<vmem>> -> memref<80xi32, #tpu.memory_space<vmem>>
    %dma_start3A_41 = arith.constant 0 : i32
    %dma_start3A_42 = arith.constant 0 : i32
    %dma_start3A_43 = tpu.memref_slice %arg2[%dma_start3A_41, %dma_start3A_42] : memref<1048576x32xi32, #tpu.memory_space<hbm>> -> memref<1048576x32xi32, #tpu.memory_space<hbm>>
    tpu.enqueue_indirect_dma source(%dma_start3A_43 : memref<1048576x32xi32, #tpu.memory_space<hbm>>) target(%dma_start3A_35 : memref<80x32xi32, #tpu.memory_space<vmem>>) offsets(%dma_start3A_40 : memref<80xi32, #tpu.memory_space<vmem>>) semaphore(%arg8 : memref<!tpu.dma_semaphore, #tpu.memory_space<semaphore_mem>>)
    %dma_start3A_44 = arith.constant 0 : i32
    %dma_start3A_45 = arith.constant 0 : i32
    %dma_start3A_46 = arith.constant 0 : i32
    %dma_start3A_47 = arith.constant 0 : i32
    %dma_start3A_48 = tpu.memref_slice %arg6[%dma_start3A_45, %dma_start3A_46, %dma_start3A_47] : memref<2x800x32xi32, #tpu.memory_space<vmem>> -> memref<1x800x32xi32, #tpu.memory_space<vmem>>
    %dma_start3A_49 = tpu.memref_squeeze %dma_start3A_48 : memref<1x800x32xi32, #tpu.memory_space<vmem>> -> memref<800x32xi32, #tpu.memory_space<vmem>>
    %dma_start3A_50 = arith.constant 160 : i32
    %dma_start3A_51 = arith.constant 0 : i32
    %dma_start3A_52 = tpu.memref_slice %dma_start3A_49[%dma_start3A_50, %dma_start3A_51] : memref<800x32xi32, #tpu.memory_space<vmem>> -> memref<80x32xi32, #tpu.memory_space<vmem>>
    %dma_start3A_53 = arith.constant 0 : i32
    %dma_start3A_54 = tpu.memref_slice %arg5[%dma_start3A_44, %dma_start3A_53] : memref<2x800xi32, #tpu.memory_space<vmem>> -> memref<1x800xi32, #tpu.memory_space<vmem>>
    %dma_start3A_55 = tpu.memref_squeeze %dma_start3A_54 : memref<1x800xi32, #tpu.memory_space<vmem>> -> memref<800xi32, #tpu.memory_space<vmem>>
    %dma_start3A_56 = arith.constant 160 : i32
    %dma_start3A_57 = tpu.memref_slice %dma_start3A_55[%dma_start3A_56] : memref<800xi32, #tpu.memory_space<vmem>> -> memref<80xi32, #tpu.memory_space<vmem>>
    %dma_start3A_58 = arith.constant 0 : i32
    %dma_start3A_59 = arith.constant 0 : i32
    %dma_start3A_60 = tpu.memref_slice %arg2[%dma_start3A_58, %dma_start3A_59] : memref<1048576x32xi32, #tpu.memory_space<hbm>> -> memref<1048576x32xi32, #tpu.memory_space<hbm>>
    tpu.enqueue_indirect_dma source(%dma_start3A_60 : memref<1048576x32xi32, #tpu.memory_space<hbm>>) target(%dma_start3A_52 : memref<80x32xi32, #tpu.memory_space<vmem>>) offsets(%dma_start3A_57 : memref<80xi32, #tpu.memory_space<vmem>>) semaphore(%arg8 : memref<!tpu.dma_semaphore, #tpu.memory_space<semaphore_mem>>)
    %dma_start3A_61 = arith.constant 0 : i32
    %dma_start3A_62 = arith.constant 0 : i32
    %dma_start3A_63 = arith.constant 0 : i32
    %dma_start3A_64 = arith.constant 0 : i32
    %dma_start3A_65 = tpu.memref_slice %arg6[%dma_start3A_62, %dma_start3A_63, %dma_start3A_64] : memref<2x800x32xi32, #tpu.memory_space<vmem>> -> memref<1x800x32xi32, #tpu.memory_space<vmem>>
    %dma_start3A_66 = tpu.memref_squeeze %dma_start3A_65 : memref<1x800x32xi32, #tpu.memory_space<vmem>> -> memref<800x32xi32, #tpu.memory_space<vmem>>
    %dma_start3A_67 = arith.constant 240 : i32
    %dma_start3A_68 = arith.constant 0 : i32
    %dma_start3A_69 = tpu.memref_slice %dma_start3A_66[%dma_start3A_67, %dma_start3A_68] : memref<800x32xi32, #tpu.memory_space<vmem>> -> memref<80x32xi32, #tpu.memory_space<vmem>>
    %dma_start3A_70 = arith.constant 0 : i32
    %dma_start3A_71 = tpu.memref_slice %arg5[%dma_start3A_61, %dma_start3A_70] : memref<2x800xi32, #tpu.memory_space<vmem>> -> memref<1x800xi32, #tpu.memory_space<vmem>>
    %dma_start3A_72 = tpu.memref_squeeze %dma_start3A_71 : memref<1x800xi32, #tpu.memory_space<vmem>> -> memref<800xi32, #tpu.memory_space<vmem>>
    %dma_start3A_73 = arith.constant 240 : i32
    %dma_start3A_74 = tpu.memref_slice %dma_start3A_72[%dma_start3A_73] : memref<800xi32, #tpu.memory_space<vmem>> -> memref<80xi32, #tpu.memory_space<vmem>>
    %dma_start3A_75 = arith.constant 0 : i32
    %dma_start3A_76 = arith.constant 0 : i32
    %dma_start3A_77 = tpu.memref_slice %arg2[%dma_start3A_75, %dma_start3A_76] : memref<1048576x32xi32, #tpu.memory_space<hbm>> -> memref<1048576x32xi32, #tpu.memory_space<hbm>>
    tpu.enqueue_indirect_dma source(%dma_start3A_77 : memref<1048576x32xi32, #tpu.memory_space<hbm>>) target(%dma_start3A_69 : memref<80x32xi32, #tpu.memory_space<vmem>>) offsets(%dma_start3A_74 : memref<80xi32, #tpu.memory_space<vmem>>) semaphore(%arg8 : memref<!tpu.dma_semaphore, #tpu.memory_space<semaphore_mem>>)
    %dma_start3A_78 = arith.constant 0 : i32
    %dma_start3A_79 = arith.constant 0 : i32
    %dma_start3A_80 = arith.constant 0 : i32
    %dma_start3A_81 = arith.constant 0 : i32
    %dma_start3A_82 = tpu.memref_slice %arg6[%dma_start3A_79, %dma_start3A_80, %dma_start3A_81] : memref<2x800x32xi32, #tpu.memory_space<vmem>> -> memref<1x800x32xi32, #tpu.memory_space<vmem>>
    %dma_start3A_83 = tpu.memref_squeeze %dma_start3A_82 : memref<1x800x32xi32, #tpu.memory_space<vmem>> -> memref<800x32xi32, #tpu.memory_space<vmem>>
    %dma_start3A_84 = arith.constant 320 : i32
    %dma_start3A_85 = arith.constant 0 : i32
    %dma_start3A_86 = tpu.memref_slice %dma_start3A_83[%dma_start3A_84, %dma_start3A_85] : memref<800x32xi32, #tpu.memory_space<vmem>> -> memref<80x32xi32, #tpu.memory_space<vmem>>
    %dma_start3A_87 = arith.constant 0 : i32
    %dma_start3A_88 = tpu.memref_slice %arg5[%dma_start3A_78, %dma_start3A_87] : memref<2x800xi32, #tpu.memory_space<vmem>> -> memref<1x800xi32, #tpu.memory_space<vmem>>
    %dma_start3A_89 = tpu.memref_squeeze %dma_start3A_88 : memref<1x800xi32, #tpu.memory_space<vmem>> -> memref<800xi32, #tpu.memory_space<vmem>>
    %dma_start3A_90 = arith.constant 320 : i32
    %dma_start3A_91 = tpu.memref_slice %dma_start3A_89[%dma_start3A_90] : memref<800xi32, #tpu.memory_space<vmem>> -> memref<80xi32, #tpu.memory_space<vmem>>
    %dma_start3A_92 = arith.constant 0 : i32
    %dma_start3A_93 = arith.constant 0 : i32
    %dma_start3A_94 = tpu.memref_slice %arg2[%dma_start3A_92, %dma_start3A_93] : memref<1048576x32xi32, #tpu.memory_space<hbm>> -> memref<1048576x32xi32, #tpu.memory_space<hbm>>
    tpu.enqueue_indirect_dma source(%dma_start3A_94 : memref<1048576x32xi32, #tpu.memory_space<hbm>>) target(%dma_start3A_86 : memref<80x32xi32, #tpu.memory_space<vmem>>) offsets(%dma_start3A_91 : memref<80xi32, #tpu.memory_space<vmem>>) semaphore(%arg8 : memref<!tpu.dma_semaphore, #tpu.memory_space<semaphore_mem>>)
    %dma_start3A_95 = arith.constant 0 : i32
    %dma_start3A_96 = arith.constant 0 : i32
    %dma_start3A_97 = arith.constant 0 : i32
    %dma_start3A_98 = arith.constant 0 : i32
    %dma_start3A_99 = tpu.memref_slice %arg6[%dma_start3A_96, %dma_start3A_97, %dma_start3A_98] : memref<2x800x32xi32, #tpu.memory_space<vmem>> -> memref<1x800x32xi32, #tpu.memory_space<vmem>>
    %dma_start3A_100 = tpu.memref_squeeze %dma_start3A_99 : memref<1x800x32xi32, #tpu.memory_space<vmem>> -> memref<800x32xi32, #tpu.memory_space<vmem>>
    %dma_start3A_101 = arith.constant 400 : i32
    %dma_start3A_102 = arith.constant 0 : i32
    %dma_start3A_103 = tpu.memref_slice %dma_start3A_100[%dma_start3A_101, %dma_start3A_102] : memref<800x32xi32, #tpu.memory_space<vmem>> -> memref<80x32xi32, #tpu.memory_space<vmem>>
    %dma_start3A_104 = arith.constant 0 : i32
    %dma_start3A_105 = tpu.memref_slice %arg5[%dma_start3A_95, %dma_start3A_104] : memref<2x800xi32, #tpu.memory_space<vmem>> -> memref<1x800xi32, #tpu.memory_space<vmem>>
    %dma_start3A_106 = tpu.memref_squeeze %dma_start3A_105 : memref<1x800xi32, #tpu.memory_space<vmem>> -> memref<800xi32, #tpu.memory_space<vmem>>
    %dma_start3A_107 = arith.constant 400 : i32
    %dma_start3A_108 = tpu.memref_slice %dma_start3A_106[%dma_start3A_107] : memref<800xi32, #tpu.memory_space<vmem>> -> memref<80xi32, #tpu.memory_space<vmem>>
    %dma_start3A_109 = arith.constant 0 : i32
    %dma_start3A_110 = arith.constant 0 : i32
    %dma_start3A_111 = tpu.memref_slice %arg2[%dma_start3A_109, %dma_start3A_110] : memref<1048576x32xi32, #tpu.memory_space<hbm>> -> memref<1048576x32xi32, #tpu.memory_space<hbm>>
    tpu.enqueue_indirect_dma source(%dma_start3A_111 : memref<1048576x32xi32, #tpu.memory_space<hbm>>) target(%dma_start3A_103 : memref<80x32xi32, #tpu.memory_space<vmem>>) offsets(%dma_start3A_108 : memref<80xi32, #tpu.memory_space<vmem>>) semaphore(%arg8 : memref<!tpu.dma_semaphore, #tpu.memory_space<semaphore_mem>>)
    %dma_start3A_112 = arith.constant 0 : i32
    %dma_start3A_113 = arith.constant 0 : i32
    %dma_start3A_114 = arith.constant 0 : i32
    %dma_start3A_115 = arith.constant 0 : i32
    %dma_start3A_116 = tpu.memref_slice %arg6[%dma_start3A_113, %dma_start3A_114, %dma_start3A_115] : memref<2x800x32xi32, #tpu.memory_space<vmem>> -> memref<1x800x32xi32, #tpu.memory_space<vmem>>
    %dma_start3A_117 = tpu.memref_squeeze %dma_start3A_116 : memref<1x800x32xi32, #tpu.memory_space<vmem>> -> memref<800x32xi32, #tpu.memory_space<vmem>>
    %dma_start3A_118 = arith.constant 480 : i32
    %dma_start3A_119 = arith.constant 0 : i32
    %dma_start3A_120 = tpu.memref_slice %dma_start3A_117[%dma_start3A_118, %dma_start3A_119] : memref<800x32xi32, #tpu.memory_space<vmem>> -> memref<80x32xi32, #tpu.memory_space<vmem>>
    %dma_start3A_121 = arith.constant 0 : i32
    %dma_start3A_122 = tpu.memref_slice %arg5[%dma_start3A_112, %dma_start3A_121] : memref<2x800xi32, #tpu.memory_space<vmem>> -> memref<1x800xi32, #tpu.memory_space<vmem>>
    %dma_start3A_123 = tpu.memref_squeeze %dma_start3A_122 : memref<1x800xi32, #tpu.memory_space<vmem>> -> memref<800xi32, #tpu.memory_space<vmem>>
    %dma_start3A_124 = arith.constant 480 : i32
    %dma_start3A_125 = tpu.memref_slice %dma_start3A_123[%dma_start3A_124] : memref<800xi32, #tpu.memory_space<vmem>> -> memref<80xi32, #tpu.memory_space<vmem>>
    %dma_start3A_126 = arith.constant 0 : i32
    %dma_start3A_127 = arith.constant 0 : i32
    %dma_start3A_128 = tpu.memref_slice %arg2[%dma_start3A_126, %dma_start3A_127] : memref<1048576x32xi32, #tpu.memory_space<hbm>> -> memref<1048576x32xi32, #tpu.memory_space<hbm>>
    tpu.enqueue_indirect_dma source(%dma_start3A_128 : memref<1048576x32xi32, #tpu.memory_space<hbm>>) target(%dma_start3A_120 : memref<80x32xi32, #tpu.memory_space<vmem>>) offsets(%dma_start3A_125 : memref<80xi32, #tpu.memory_space<vmem>>) semaphore(%arg8 : memref<!tpu.dma_semaphore, #tpu.memory_space<semaphore_mem>>)
    %dma_start3A_129 = arith.constant 0 : i32
    %dma_start3A_130 = arith.constant 0 : i32
    %dma_start3A_131 = arith.constant 0 : i32
    %dma_start3A_132 = arith.constant 0 : i32
    %dma_start3A_133 = tpu.memref_slice %arg6[%dma_start3A_130, %dma_start3A_131, %dma_start3A_132] : memref<2x800x32xi32, #tpu.memory_space<vmem>> -> memref<1x800x32xi32, #tpu.memory_space<vmem>>
    %dma_start3A_134 = tpu.memref_squeeze %dma_start3A_133 : memref<1x800x32xi32, #tpu.memory_space<vmem>> -> memref<800x32xi32, #tpu.memory_space<vmem>>
    %dma_start3A_135 = arith.constant 560 : i32
    %dma_start3A_136 = arith.constant 0 : i32
    %dma_start3A_137 = tpu.memref_slice %dma_start3A_134[%dma_start3A_135, %dma_start3A_136] : memref<800x32xi32, #tpu.memory_space<vmem>> -> memref<80x32xi32, #tpu.memory_space<vmem>>
    %dma_start3A_138 = arith.constant 0 : i32
    %dma_start3A_139 = tpu.memref_slice %arg5[%dma_start3A_129, %dma_start3A_138] : memref<2x800xi32, #tpu.memory_space<vmem>> -> memref<1x800xi32, #tpu.memory_space<vmem>>
    %dma_start3A_140 = tpu.memref_squeeze %dma_start3A_139 : memref<1x800xi32, #tpu.memory_space<vmem>> -> memref<800xi32, #tpu.memory_space<vmem>>
    %dma_start3A_141 = arith.constant 560 : i32
    %dma_start3A_142 = tpu.memref_slice %dma_start3A_140[%dma_start3A_141] : memref<800xi32, #tpu.memory_space<vmem>> -> memref<80xi32, #tpu.memory_space<vmem>>
    %dma_start3A_143 = arith.constant 0 : i32
    %dma_start3A_144 = arith.constant 0 : i32
    %dma_start3A_145 = tpu.memref_slice %arg2[%dma_start3A_143, %dma_start3A_144] : memref<1048576x32xi32, #tpu.memory_space<hbm>> -> memref<1048576x32xi32, #tpu.memory_space<hbm>>
    tpu.enqueue_indirect_dma source(%dma_start3A_145 : memref<1048576x32xi32, #tpu.memory_space<hbm>>) target(%dma_start3A_137 : memref<80x32xi32, #tpu.memory_space<vmem>>) offsets(%dma_start3A_142 : memref<80xi32, #tpu.memory_space<vmem>>) semaphore(%arg8 : memref<!tpu.dma_semaphore, #tpu.memory_space<semaphore_mem>>)
    %dma_start3A_146 = arith.constant 0 : i32
    %dma_start3A_147 = arith.constant 0 : i32
    %dma_start3A_148 = arith.constant 0 : i32
    %dma_start3A_149 = arith.constant 0 : i32
    %dma_start3A_150 = tpu.memref_slice %arg6[%dma_start3A_147, %dma_start3A_148, %dma_start3A_149] : memref<2x800x32xi32, #tpu.memory_space<vmem>> -> memref<1x800x32xi32, #tpu.memory_space<vmem>>
    %dma_start3A_151 = tpu.memref_squeeze %dma_start3A_150 : memref<1x800x32xi32, #tpu.memory_space<vmem>> -> memref<800x32xi32, #tpu.memory_space<vmem>>
    %dma_start3A_152 = arith.constant 640 : i32
    %dma_start3A_153 = arith.constant 0 : i32
    %dma_start3A_154 = tpu.memref_slice %dma_start3A_151[%dma_start3A_152, %dma_start3A_153] : memref<800x32xi32, #tpu.memory_space<vmem>> -> memref<80x32xi32, #tpu.memory_space<vmem>>
    %dma_start3A_155 = arith.constant 0 : i32
    %dma_start3A_156 = tpu.memref_slice %arg5[%dma_start3A_146, %dma_start3A_155] : memref<2x800xi32, #tpu.memory_space<vmem>> -> memref<1x800xi32, #tpu.memory_space<vmem>>
    %dma_start3A_157 = tpu.memref_squeeze %dma_start3A_156 : memref<1x800xi32, #tpu.memory_space<vmem>> -> memref<800xi32, #tpu.memory_space<vmem>>
    %dma_start3A_158 = arith.constant 640 : i32
    %dma_start3A_159 = tpu.memref_slice %dma_start3A_157[%dma_start3A_158] : memref<800xi32, #tpu.memory_space<vmem>> -> memref<80xi32, #tpu.memory_space<vmem>>
    %dma_start3A_160 = arith.constant 0 : i32
    %dma_start3A_161 = arith.constant 0 : i32
    %dma_start3A_162 = tpu.memref_slice %arg2[%dma_start3A_160, %dma_start3A_161] : memref<1048576x32xi32, #tpu.memory_space<hbm>> -> memref<1048576x32xi32, #tpu.memory_space<hbm>>
    tpu.enqueue_indirect_dma source(%dma_start3A_162 : memref<1048576x32xi32, #tpu.memory_space<hbm>>) target(%dma_start3A_154 : memref<80x32xi32, #tpu.memory_space<vmem>>) offsets(%dma_start3A_159 : memref<80xi32, #tpu.memory_space<vmem>>) semaphore(%arg8 : memref<!tpu.dma_semaphore, #tpu.memory_space<semaphore_mem>>)
    %dma_start3A_163 = arith.constant 0 : i32
    %dma_start3A_164 = arith.constant 0 : i32
    %dma_start3A_165 = arith.constant 0 : i32
    %dma_start3A_166 = arith.constant 0 : i32
    %dma_start3A_167 = tpu.memref_slice %arg6[%dma_start3A_164, %dma_start3A_165, %dma_start3A_166] : memref<2x800x32xi32, #tpu.memory_space<vmem>> -> memref<1x800x32xi32, #tpu.memory_space<vmem>>
    %dma_start3A_168 = tpu.memref_squeeze %dma_start3A_167 : memref<1x800x32xi32, #tpu.memory_space<vmem>> -> memref<800x32xi32, #tpu.memory_space<vmem>>
    %dma_start3A_169 = arith.constant 720 : i32
    %dma_start3A_170 = arith.constant 0 : i32
    %dma_start3A_171 = tpu.memref_slice %dma_start3A_168[%dma_start3A_169, %dma_start3A_170] : memref<800x32xi32, #tpu.memory_space<vmem>> -> memref<80x32xi32, #tpu.memory_space<vmem>>
    %dma_start3A_172 = arith.constant 0 : i32
    %dma_start3A_173 = tpu.memref_slice %arg5[%dma_start3A_163, %dma_start3A_172] : memref<2x800xi32, #tpu.memory_space<vmem>> -> memref<1x800xi32, #tpu.memory_space<vmem>>
    %dma_start3A_174 = tpu.memref_squeeze %dma_start3A_173 : memref<1x800xi32, #tpu.memory_space<vmem>> -> memref<800xi32, #tpu.memory_space<vmem>>
    %dma_start3A_175 = arith.constant 720 : i32
    %dma_start3A_176 = tpu.memref_slice %dma_start3A_174[%dma_start3A_175] : memref<800xi32, #tpu.memory_space<vmem>> -> memref<80xi32, #tpu.memory_space<vmem>>
    %dma_start3A_177 = arith.constant 0 : i32
    %dma_start3A_178 = arith.constant 0 : i32
    %dma_start3A_179 = tpu.memref_slice %arg2[%dma_start3A_177, %dma_start3A_178] : memref<1048576x32xi32, #tpu.memory_space<hbm>> -> memref<1048576x32xi32, #tpu.memory_space<hbm>>
    tpu.enqueue_indirect_dma source(%dma_start3A_179 : memref<1048576x32xi32, #tpu.memory_space<hbm>>) target(%dma_start3A_171 : memref<80x32xi32, #tpu.memory_space<vmem>>) offsets(%dma_start3A_176 : memref<80xi32, #tpu.memory_space<vmem>>) semaphore(%arg8 : memref<!tpu.dma_semaphore, #tpu.memory_space<semaphore_mem>>)
    %scan3A_180 = arith.constant 0 : i32
    %scan3A_181 = arith.constant 16 : i32
    %scan3A_182 = arith.addi %scan3A_180, %scan3A_181 : i32
    %scan3A_183 = arith.constant 1 : i32
    scf.for %scan3A_185 = %scan3A_180 to %scan3A_182 step %scan3A_183  : i32 {
      %mul3A_186 = arith.constant 2 : i32
      %mul3A_187 = arith.muli %scan3A_185, %mul3A_186 : i32
      %add3A_188 = arith.constant 0 : i32
      %add3A_189 = arith.addi %add3A_188, %mul3A_187 : i32
      %add3A_190 = arith.constant 0 : i32
      %add3A_191 = arith.addi %add3A_189, %add3A_190 : i32
      %add3A_192 = arith.constant 1 : i32
      %add3A_193 = arith.addi %add3A_191, %add3A_192 : i32
      %lt3A = arith.constant 32 : i32
      %lt3A_194 = arith.cmpi slt, %add3A_193, %lt3A : i32
      %convert_element_type3A = arith.extui %lt3A_194 : i1 to i32
      %cond3A = arith.constant 0 : i32
      %cond3A_195 = arith.cmpi ne, %convert_element_type3A, %cond3A : i32
      scf.if %cond3A_195 {
        %add3A_254 = arith.constant 1 : i32
        %add3A_255 = arith.addi %add3A_191, %add3A_254 : i32
        %mul3A_256 = arith.constant 512 : i32
        %mul3A_257 = arith.muli %add3A, %mul3A_256 : i32
        %mul3A_258 = arith.constant 16 : i32
        %mul3A_259 = arith.muli %add3A_255, %mul3A_258 : i32
        %add3A_260 = arith.addi %mul3A_257, %mul3A_259 : i32
        %mul3A_261 = arith.constant 50 : i32
        %mul3A_262 = arith.muli %add3A_260, %mul3A_261 : i32
        %run_scoped3A_263 = arith.constant 1 : i32
        "tpu.region"() ({
          %run_scoped3A_439 = tpu.sem_alloc : memref<!tpu.dma_semaphore, #tpu.memory_space<semaphore_mem>>
          %dma_start3A_440 = arith.constant 0 : i32
          %dma_start3A_441 = tpu.memref_slice %arg5[%run_scoped3A_263, %dma_start3A_440] : memref<2x800xi32, #tpu.memory_space<vmem>> -> memref<1x800xi32, #tpu.memory_space<vmem>>
          %dma_start3A_442 = tpu.memref_squeeze %dma_start3A_441 : memref<1x800xi32, #tpu.memory_space<vmem>> -> memref<800xi32, #tpu.memory_space<vmem>>
          %dma_start3A_443 = tpu.memref_slice %arg3[%mul3A_262] : memref<819200xi32, #tpu.memory_space<hbm>> -> memref<800xi32, #tpu.memory_space<hbm>>
          %dma_start3A_444 = arith.constant 0 : i32
          %dma_start3A_445 = tpu.memref_slice %arg5[%run_scoped3A_263, %dma_start3A_444] : memref<2x800xi32, #tpu.memory_space<vmem>> -> memref<1x800xi32, #tpu.memory_space<vmem>>
          %dma_start3A_446 = tpu.memref_squeeze %dma_start3A_445 : memref<1x800xi32, #tpu.memory_space<vmem>> -> memref<800xi32, #tpu.memory_space<vmem>>
          %dma_start3A_447 = tpu.memref_slice %arg3[%mul3A_262] : memref<819200xi32, #tpu.memory_space<hbm>> -> memref<800xi32, #tpu.memory_space<hbm>>
          tpu.enqueue_dma source(%dma_start3A_447 : memref<800xi32, #tpu.memory_space<hbm>>) target(%dma_start3A_446 : memref<800xi32, #tpu.memory_space<vmem>>) target_semaphore(%run_scoped3A_439 : memref<!tpu.dma_semaphore, #tpu.memory_space<semaphore_mem>>)
          %dma_wait3A_448 = arith.constant 0 : i32
          %dma_wait3A_449 = tpu.memref_slice %arg5[%run_scoped3A_263, %dma_wait3A_448] : memref<2x800xi32, #tpu.memory_space<vmem>> -> memref<1x800xi32, #tpu.memory_space<vmem>>
          %dma_wait3A_450 = tpu.memref_squeeze %dma_wait3A_449 : memref<1x800xi32, #tpu.memory_space<vmem>> -> memref<800xi32, #tpu.memory_space<vmem>>
          %dma_wait3A_451 = tpu.memref_slice %arg3[%mul3A_262] : memref<819200xi32, #tpu.memory_space<hbm>> -> memref<800xi32, #tpu.memory_space<hbm>>
          %dma_wait3A_452 = arith.constant 0 : i32
          %dma_wait3A_453 = tpu.memref_slice %arg5[%run_scoped3A_263, %dma_wait3A_452] : memref<2x800xi32, #tpu.memory_space<vmem>> -> memref<1x800xi32, #tpu.memory_space<vmem>>
          %dma_wait3A_454 = tpu.memref_squeeze %dma_wait3A_453 : memref<1x800xi32, #tpu.memory_space<vmem>> -> memref<800xi32, #tpu.memory_space<vmem>>
          %dma_wait3A_455 = tpu.memref_slice %arg3[%mul3A_262] : memref<819200xi32, #tpu.memory_space<hbm>> -> memref<800xi32, #tpu.memory_space<hbm>>
          tpu.wait_dma2 semaphore(%run_scoped3A_439 : memref<!tpu.dma_semaphore, #tpu.memory_space<semaphore_mem>>) src(%dma_wait3A_455 : memref<800xi32, #tpu.memory_space<hbm>>) dst(%dma_wait3A_454 : memref<800xi32, #tpu.memory_space<vmem>>)
          tpu.yield
        }) : () -> ()
        %scan3A_264 = arith.constant 0 : i32
        %scan3A_265 = arith.constant 50 : i32
        %scan3A_266 = arith.addi %scan3A_264, %scan3A_265 : i32
        %scan3A_267 = arith.constant 1 : i32
        scf.for %scan3A_439 = %scan3A_264 to %scan3A_266 step %scan3A_267  : i32 {
          %mul3A_440 = arith.constant 1 : i32
          %mul3A_441 = arith.muli %scan3A_439, %mul3A_440 : i32
          %add3A_442 = arith.constant 0 : i32
          %add3A_443 = arith.addi %add3A_442, %mul3A_441 : i32
          %mul3A_444 = arith.constant 16 : i32
          %mul3A_445 = arith.muli %add3A_443, %mul3A_444 : i32
          %get3A = arith.constant 1 : i32
          %get3A_446 = arith.index_cast %get3A : i32 to index
          %get3A_447 = arith.index_cast %mul3A_445 : i32 to index
          %get3A_448 = tpu.vector_load %arg5[%get3A_446, %get3A_447] {strides = array<i32>} : memref<2x800xi32, #tpu.memory_space<vmem>>, vector<16xi32>,
          %ge3A = arith.constant 262144 : i32
          %ge3A_449 = vector.broadcast %ge3A : i32 to vector<16xi32>
          %ge3A_450 = arith.cmpi sge, %get3A_448, %ge3A_449 : vector<16xi32>
          %convert_element_type3A_451 = arith.extui %ge3A_450 : vector<16xi1> to vector<16xi32>
          %ge3A_452 = arith.constant 524288 : i32
          %ge3A_453 = vector.broadcast %ge3A_452 : i32 to vector<16xi32>
          %ge3A_454 = arith.cmpi sge, %get3A_448, %ge3A_453 : vector<16xi32>
          %convert_element_type3A_455 = arith.extui %ge3A_454 : vector<16xi1> to vector<16xi32>
          %add3A_456 = arith.addi %convert_element_type3A_451, %convert_element_type3A_455 : vector<16xi32>
          %ge3A_457 = arith.constant 786432 : i32
          %ge3A_458 = vector.broadcast %ge3A_457 : i32 to vector<16xi32>
          %ge3A_459 = arith.cmpi sge, %get3A_448, %ge3A_458 : vector<16xi32>
          %convert_element_type3A_460 = arith.extui %ge3A_459 : vector<16xi1> to vector<16xi32>
          %add3A_461 = arith.addi %add3A_456, %convert_element_type3A_460 : vector<16xi32>
          %mul3A_462 = arith.constant 4 : i32
          %mul3A_463 = vector.broadcast %mul3A_462 : i32 to vector<16xi32>
          %mul3A_464 = arith.muli %mul3A_463, %get3A_448 : vector<16xi32>
          %mul3A_465 = arith.constant 1048575 : i32
          %mul3A_466 = vector.broadcast %mul3A_465 : i32 to vector<16xi32>
          %mul3A_467 = arith.muli %add3A_461, %mul3A_466 : vector<16xi32>
          %sub3A = arith.subi %mul3A_464, %mul3A_467 : vector<16xi32>
          %mul3A_468 = arith.constant 16 : i32
          %mul3A_469 = arith.muli %add3A_443, %mul3A_468 : i32
          %swap3A = arith.constant 1 : i32
          %swap3A_470 = arith.index_cast %swap3A : i32 to index
          %swap3A_471 = arith.index_cast %mul3A_469 : i32 to index
          %swap3A_472 = tpu.vector_load %arg5[%swap3A_470, %swap3A_471] {strides = array<i32>} : memref<2x800xi32, #tpu.memory_space<vmem>>, vector<16xi32>,
          tpu.vector_store %arg5[%swap3A_470, %swap3A_471], %sub3A {strides = array<i32>} : memref<2x800xi32, #tpu.memory_space<vmem>>, vector<16xi32>,
        }
        %scan3A_268 = arith.constant 50 : i32
        %dma_start3A_269 = arith.constant 1 : i32
        %dma_start3A_270 = arith.constant 1 : i32
        %dma_start3A_271 = arith.constant 0 : i32
        %dma_start3A_272 = arith.constant 0 : i32
        %dma_start3A_273 = tpu.memref_slice %arg6[%dma_start3A_270, %dma_start3A_271, %dma_start3A_272] : memref<2x800x32xi32, #tpu.memory_space<vmem>> -> memref<1x800x32xi32, #tpu.memory_space<vmem>>
        %dma_start3A_274 = tpu.memref_squeeze %dma_start3A_273 : memref<1x800x32xi32, #tpu.memory_space<vmem>> -> memref<800x32xi32, #tpu.memory_space<vmem>>
        %dma_start3A_275 = arith.constant 0 : i32
        %dma_start3A_276 = arith.constant 0 : i32
        %dma_start3A_277 = tpu.memref_slice %dma_start3A_274[%dma_start3A_275, %dma_start3A_276] : memref<800x32xi32, #tpu.memory_space<vmem>> -> memref<80x32xi32, #tpu.memory_space<vmem>>
        %dma_start3A_278 = arith.constant 0 : i32
        %dma_start3A_279 = tpu.memref_slice %arg5[%dma_start3A_269, %dma_start3A_278] : memref<2x800xi32, #tpu.memory_space<vmem>> -> memref<1x800xi32, #tpu.memory_space<vmem>>
        %dma_start3A_280 = tpu.memref_squeeze %dma_start3A_279 : memref<1x800xi32, #tpu.memory_space<vmem>> -> memref<800xi32, #tpu.memory_space<vmem>>
        %dma_start3A_281 = arith.constant 0 : i32
        %dma_start3A_282 = tpu.memref_slice %dma_start3A_280[%dma_start3A_281] : memref<800xi32, #tpu.memory_space<vmem>> -> memref<80xi32, #tpu.memory_space<vmem>>
        %dma_start3A_283 = arith.constant 0 : i32
        %dma_start3A_284 = arith.constant 0 : i32
        %dma_start3A_285 = tpu.memref_slice %arg2[%dma_start3A_283, %dma_start3A_284] : memref<1048576x32xi32, #tpu.memory_space<hbm>> -> memref<1048576x32xi32, #tpu.memory_space<hbm>>
        tpu.enqueue_indirect_dma source(%dma_start3A_285 : memref<1048576x32xi32, #tpu.memory_space<hbm>>) target(%dma_start3A_277 : memref<80x32xi32, #tpu.memory_space<vmem>>) offsets(%dma_start3A_282 : memref<80xi32, #tpu.memory_space<vmem>>) semaphore(%arg9 : memref<!tpu.dma_semaphore, #tpu.memory_space<semaphore_mem>>)
        %dma_start3A_286 = arith.constant 1 : i32
        %dma_start3A_287 = arith.constant 1 : i32
        %dma_start3A_288 = arith.constant 0 : i32
        %dma_start3A_289 = arith.constant 0 : i32
        %dma_start3A_290 = tpu.memref_slice %arg6[%dma_start3A_287, %dma_start3A_288, %dma_start3A_289] : memref<2x800x32xi32, #tpu.memory_space<vmem>> -> memref<1x800x32xi32, #tpu.memory_space<vmem>>
        %dma_start3A_291 = tpu.memref_squeeze %dma_start3A_290 : memref<1x800x32xi32, #tpu.memory_space<vmem>> -> memref<800x32xi32, #tpu.memory_space<vmem>>
        %dma_start3A_292 = arith.constant 80 : i32
        %dma_start3A_293 = arith.constant 0 : i32
        %dma_start3A_294 = tpu.memref_slice %dma_start3A_291[%dma_start3A_292, %dma_start3A_293] : memref<800x32xi32, #tpu.memory_space<vmem>> -> memref<80x32xi32, #tpu.memory_space<vmem>>
        %dma_start3A_295 = arith.constant 0 : i32
        %dma_start3A_296 = tpu.memref_slice %arg5[%dma_start3A_286, %dma_start3A_295] : memref<2x800xi32, #tpu.memory_space<vmem>> -> memref<1x800xi32, #tpu.memory_space<vmem>>
        %dma_start3A_297 = tpu.memref_squeeze %dma_start3A_296 : memref<1x800xi32, #tpu.memory_space<vmem>> -> memref<800xi32, #tpu.memory_space<vmem>>
        %dma_start3A_298 = arith.constant 80 : i32
        %dma_start3A_299 = tpu.memref_slice %dma_start3A_297[%dma_start3A_298] : memref<800xi32, #tpu.memory_space<vmem>> -> memref<80xi32, #tpu.memory_space<vmem>>
        %dma_start3A_300 = arith.constant 0 : i32
        %dma_start3A_301 = arith.constant 0 : i32
        %dma_start3A_302 = tpu.memref_slice %arg2[%dma_start3A_300, %dma_start3A_301] : memref<1048576x32xi32, #tpu.memory_space<hbm>> -> memref<1048576x32xi32, #tpu.memory_space<hbm>>
        tpu.enqueue_indirect_dma source(%dma_start3A_302 : memref<1048576x32xi32, #tpu.memory_space<hbm>>) target(%dma_start3A_294 : memref<80x32xi32, #tpu.memory_space<vmem>>) offsets(%dma_start3A_299 : memref<80xi32, #tpu.memory_space<vmem>>) semaphore(%arg9 : memref<!tpu.dma_semaphore, #tpu.memory_space<semaphore_mem>>)
        %dma_start3A_303 = arith.constant 1 : i32
        %dma_start3A_304 = arith.constant 1 : i32
        %dma_start3A_305 = arith.constant 0 : i32
        %dma_start3A_306 = arith.constant 0 : i32
        %dma_start3A_307 = tpu.memref_slice %arg6[%dma_start3A_304, %dma_start3A_305, %dma_start3A_306] : memref<2x800x32xi32, #tpu.memory_space<vmem>> -> memref<1x800x32xi32, #tpu.memory_space<vmem>>
        %dma_start3A_308 = tpu.memref_squeeze %dma_start3A_307 : memref<1x800x32xi32, #tpu.memory_space<vmem>> -> memref<800x32xi32, #tpu.memory_space<vmem>>
        %dma_start3A_309 = arith.constant 160 : i32
        %dma_start3A_310 = arith.constant 0 : i32
        %dma_start3A_311 = tpu.memref_slice %dma_start3A_308[%dma_start3A_309, %dma_start3A_310] : memref<800x32xi32, #tpu.memory_space<vmem>> -> memref<80x32xi32, #tpu.memory_space<vmem>>
        %dma_start3A_312 = arith.constant 0 : i32
        %dma_start3A_313 = tpu.memref_slice %arg5[%dma_start3A_303, %dma_start3A_312] : memref<2x800xi32, #tpu.memory_space<vmem>> -> memref<1x800xi32, #tpu.memory_space<vmem>>
        %dma_start3A_314 = tpu.memref_squeeze %dma_start3A_313 : memref<1x800xi32, #tpu.memory_space<vmem>> -> memref<800xi32, #tpu.memory_space<vmem>>
        %dma_start3A_315 = arith.constant 160 : i32
        %dma_start3A_316 = tpu.memref_slice %dma_start3A_314[%dma_start3A_315] : memref<800xi32, #tpu.memory_space<vmem>> -> memref<80xi32, #tpu.memory_space<vmem>>
        %dma_start3A_317 = arith.constant 0 : i32
        %dma_start3A_318 = arith.constant 0 : i32
        %dma_start3A_319 = tpu.memref_slice %arg2[%dma_start3A_317, %dma_start3A_318] : memref<1048576x32xi32, #tpu.memory_space<hbm>> -> memref<1048576x32xi32, #tpu.memory_space<hbm>>
        tpu.enqueue_indirect_dma source(%dma_start3A_319 : memref<1048576x32xi32, #tpu.memory_space<hbm>>) target(%dma_start3A_311 : memref<80x32xi32, #tpu.memory_space<vmem>>) offsets(%dma_start3A_316 : memref<80xi32, #tpu.memory_space<vmem>>) semaphore(%arg9 : memref<!tpu.dma_semaphore, #tpu.memory_space<semaphore_mem>>)
        %dma_start3A_320 = arith.constant 1 : i32
        %dma_start3A_321 = arith.constant 1 : i32
        %dma_start3A_322 = arith.constant 0 : i32
        %dma_start3A_323 = arith.constant 0 : i32
        %dma_start3A_324 = tpu.memref_slice %arg6[%dma_start3A_321, %dma_start3A_322, %dma_start3A_323] : memref<2x800x32xi32, #tpu.memory_space<vmem>> -> memref<1x800x32xi32, #tpu.memory_space<vmem>>
        %dma_start3A_325 = tpu.memref_squeeze %dma_start3A_324 : memref<1x800x32xi32, #tpu.memory_space<vmem>> -> memref<800x32xi32, #tpu.memory_space<vmem>>
        %dma_start3A_326 = arith.constant 240 : i32
        %dma_start3A_327 = arith.constant 0 : i32
        %dma_start3A_328 = tpu.memref_slice %dma_start3A_325[%dma_start3A_326, %dma_start3A_327] : memref<800x32xi32, #tpu.memory_space<vmem>> -> memref<80x32xi32, #tpu.memory_space<vmem>>
        %dma_start3A_329 = arith.constant 0 : i32
        %dma_start3A_330 = tpu.memref_slice %arg5[%dma_start3A_320, %dma_start3A_329] : memref<2x800xi32, #tpu.memory_space<vmem>> -> memref<1x800xi32, #tpu.memory_space<vmem>>
        %dma_start3A_331 = tpu.memref_squeeze %dma_start3A_330 : memref<1x800xi32, #tpu.memory_space<vmem>> -> memref<800xi32, #tpu.memory_space<vmem>>
        %dma_start3A_332 = arith.constant 240 : i32
        %dma_start3A_333 = tpu.memref_slice %dma_start3A_331[%dma_start3A_332] : memref<800xi32, #tpu.memory_space<vmem>> -> memref<80xi32, #tpu.memory_space<vmem>>
        %dma_start3A_334 = arith.constant 0 : i32
        %dma_start3A_335 = arith.constant 0 : i32
        %dma_start3A_336 = tpu.memref_slice %arg2[%dma_start3A_334, %dma_start3A_335] : memref<1048576x32xi32, #tpu.memory_space<hbm>> -> memref<1048576x32xi32, #tpu.memory_space<hbm>>
        tpu.enqueue_indirect_dma source(%dma_start3A_336 : memref<1048576x32xi32, #tpu.memory_space<hbm>>) target(%dma_start3A_328 : memref<80x32xi32, #tpu.memory_space<vmem>>) offsets(%dma_start3A_333 : memref<80xi32, #tpu.memory_space<vmem>>) semaphore(%arg9 : memref<!tpu.dma_semaphore, #tpu.memory_space<semaphore_mem>>)
        %dma_start3A_337 = arith.constant 1 : i32
        %dma_start3A_338 = arith.constant 1 : i32
        %dma_start3A_339 = arith.constant 0 : i32
        %dma_start3A_340 = arith.constant 0 : i32
        %dma_start3A_341 = tpu.memref_slice %arg6[%dma_start3A_338, %dma_start3A_339, %dma_start3A_340] : memref<2x800x32xi32, #tpu.memory_space<vmem>> -> memref<1x800x32xi32, #tpu.memory_space<vmem>>
        %dma_start3A_342 = tpu.memref_squeeze %dma_start3A_341 : memref<1x800x32xi32, #tpu.memory_space<vmem>> -> memref<800x32xi32, #tpu.memory_space<vmem>>
        %dma_start3A_343 = arith.constant 320 : i32
        %dma_start3A_344 = arith.constant 0 : i32
        %dma_start3A_345 = tpu.memref_slice %dma_start3A_342[%dma_start3A_343, %dma_start3A_344] : memref<800x32xi32, #tpu.memory_space<vmem>> -> memref<80x32xi32, #tpu.memory_space<vmem>>
        %dma_start3A_346 = arith.constant 0 : i32
        %dma_start3A_347 = tpu.memref_slice %arg5[%dma_start3A_337, %dma_start3A_346] : memref<2x800xi32, #tpu.memory_space<vmem>> -> memref<1x800xi32, #tpu.memory_space<vmem>>
        %dma_start3A_348 = tpu.memref_squeeze %dma_start3A_347 : memref<1x800xi32, #tpu.memory_space<vmem>> -> memref<800xi32, #tpu.memory_space<vmem>>
        %dma_start3A_349 = arith.constant 320 : i32
        %dma_start3A_350 = tpu.memref_slice %dma_start3A_348[%dma_start3A_349] : memref<800xi32, #tpu.memory_space<vmem>> -> memref<80xi32, #tpu.memory_space<vmem>>
        %dma_start3A_351 = arith.constant 0 : i32
        %dma_start3A_352 = arith.constant 0 : i32
        %dma_start3A_353 = tpu.memref_slice %arg2[%dma_start3A_351, %dma_start3A_352] : memref<1048576x32xi32, #tpu.memory_space<hbm>> -> memref<1048576x32xi32, #tpu.memory_space<hbm>>
        tpu.enqueue_indirect_dma source(%dma_start3A_353 : memref<1048576x32xi32, #tpu.memory_space<hbm>>) target(%dma_start3A_345 : memref<80x32xi32, #tpu.memory_space<vmem>>) offsets(%dma_start3A_350 : memref<80xi32, #tpu.memory_space<vmem>>) semaphore(%arg9 : memref<!tpu.dma_semaphore, #tpu.memory_space<semaphore_mem>>)
        %dma_start3A_354 = arith.constant 1 : i32
        %dma_start3A_355 = arith.constant 1 : i32
        %dma_start3A_356 = arith.constant 0 : i32
        %dma_start3A_357 = arith.constant 0 : i32
        %dma_start3A_358 = tpu.memref_slice %arg6[%dma_start3A_355, %dma_start3A_356, %dma_start3A_357] : memref<2x800x32xi32, #tpu.memory_space<vmem>> -> memref<1x800x32xi32, #tpu.memory_space<vmem>>
        %dma_start3A_359 = tpu.memref_squeeze %dma_start3A_358 : memref<1x800x32xi32, #tpu.memory_space<vmem>> -> memref<800x32xi32, #tpu.memory_space<vmem>>
        %dma_start3A_360 = arith.constant 400 : i32
        %dma_start3A_361 = arith.constant 0 : i32
        %dma_start3A_362 = tpu.memref_slice %dma_start3A_359[%dma_start3A_360, %dma_start3A_361] : memref<800x32xi32, #tpu.memory_space<vmem>> -> memref<80x32xi32, #tpu.memory_space<vmem>>
        %dma_start3A_363 = arith.constant 0 : i32
        %dma_start3A_364 = tpu.memref_slice %arg5[%dma_start3A_354, %dma_start3A_363] : memref<2x800xi32, #tpu.memory_space<vmem>> -> memref<1x800xi32, #tpu.memory_space<vmem>>
        %dma_start3A_365 = tpu.memref_squeeze %dma_start3A_364 : memref<1x800xi32, #tpu.memory_space<vmem>> -> memref<800xi32, #tpu.memory_space<vmem>>
        %dma_start3A_366 = arith.constant 400 : i32
        %dma_start3A_367 = tpu.memref_slice %dma_start3A_365[%dma_start3A_366] : memref<800xi32, #tpu.memory_space<vmem>> -> memref<80xi32, #tpu.memory_space<vmem>>
        %dma_start3A_368 = arith.constant 0 : i32
        %dma_start3A_369 = arith.constant 0 : i32
        %dma_start3A_370 = tpu.memref_slice %arg2[%dma_start3A_368, %dma_start3A_369] : memref<1048576x32xi32, #tpu.memory_space<hbm>> -> memref<1048576x32xi32, #tpu.memory_space<hbm>>
        tpu.enqueue_indirect_dma source(%dma_start3A_370 : memref<1048576x32xi32, #tpu.memory_space<hbm>>) target(%dma_start3A_362 : memref<80x32xi32, #tpu.memory_space<vmem>>) offsets(%dma_start3A_367 : memref<80xi32, #tpu.memory_space<vmem>>) semaphore(%arg9 : memref<!tpu.dma_semaphore, #tpu.memory_space<semaphore_mem>>)
        %dma_start3A_371 = arith.constant 1 : i32
        %dma_start3A_372 = arith.constant 1 : i32
        %dma_start3A_373 = arith.constant 0 : i32
        %dma_start3A_374 = arith.constant 0 : i32
        %dma_start3A_375 = tpu.memref_slice %arg6[%dma_start3A_372, %dma_start3A_373, %dma_start3A_374] : memref<2x800x32xi32, #tpu.memory_space<vmem>> -> memref<1x800x32xi32, #tpu.memory_space<vmem>>
        %dma_start3A_376 = tpu.memref_squeeze %dma_start3A_375 : memref<1x800x32xi32, #tpu.memory_space<vmem>> -> memref<800x32xi32, #tpu.memory_space<vmem>>
        %dma_start3A_377 = arith.constant 480 : i32
        %dma_start3A_378 = arith.constant 0 : i32
        %dma_start3A_379 = tpu.memref_slice %dma_start3A_376[%dma_start3A_377, %dma_start3A_378] : memref<800x32xi32, #tpu.memory_space<vmem>> -> memref<80x32xi32, #tpu.memory_space<vmem>>
        %dma_start3A_380 = arith.constant 0 : i32
        %dma_start3A_381 = tpu.memref_slice %arg5[%dma_start3A_371, %dma_start3A_380] : memref<2x800xi32, #tpu.memory_space<vmem>> -> memref<1x800xi32, #tpu.memory_space<vmem>>
        %dma_start3A_382 = tpu.memref_squeeze %dma_start3A_381 : memref<1x800xi32, #tpu.memory_space<vmem>> -> memref<800xi32, #tpu.memory_space<vmem>>
        %dma_start3A_383 = arith.constant 480 : i32
        %dma_start3A_384 = tpu.memref_slice %dma_start3A_382[%dma_start3A_383] : memref<800xi32, #tpu.memory_space<vmem>> -> memref<80xi32, #tpu.memory_space<vmem>>
        %dma_start3A_385 = arith.constant 0 : i32
        %dma_start3A_386 = arith.constant 0 : i32
        %dma_start3A_387 = tpu.memref_slice %arg2[%dma_start3A_385, %dma_start3A_386] : memref<1048576x32xi32, #tpu.memory_space<hbm>> -> memref<1048576x32xi32, #tpu.memory_space<hbm>>
        tpu.enqueue_indirect_dma source(%dma_start3A_387 : memref<1048576x32xi32, #tpu.memory_space<hbm>>) target(%dma_start3A_379 : memref<80x32xi32, #tpu.memory_space<vmem>>) offsets(%dma_start3A_384 : memref<80xi32, #tpu.memory_space<vmem>>) semaphore(%arg9 : memref<!tpu.dma_semaphore, #tpu.memory_space<semaphore_mem>>)
        %dma_start3A_388 = arith.constant 1 : i32
        %dma_start3A_389 = arith.constant 1 : i32
        %dma_start3A_390 = arith.constant 0 : i32
        %dma_start3A_391 = arith.constant 0 : i32
        %dma_start3A_392 = tpu.memref_slice %arg6[%dma_start3A_389, %dma_start3A_390, %dma_start3A_391] : memref<2x800x32xi32, #tpu.memory_space<vmem>> -> memref<1x800x32xi32, #tpu.memory_space<vmem>>
        %dma_start3A_393 = tpu.memref_squeeze %dma_start3A_392 : memref<1x800x32xi32, #tpu.memory_space<vmem>> -> memref<800x32xi32, #tpu.memory_space<vmem>>
        %dma_start3A_394 = arith.constant 560 : i32
        %dma_start3A_395 = arith.constant 0 : i32
        %dma_start3A_396 = tpu.memref_slice %dma_start3A_393[%dma_start3A_394, %dma_start3A_395] : memref<800x32xi32, #tpu.memory_space<vmem>> -> memref<80x32xi32, #tpu.memory_space<vmem>>
        %dma_start3A_397 = arith.constant 0 : i32
        %dma_start3A_398 = tpu.memref_slice %arg5[%dma_start3A_388, %dma_start3A_397] : memref<2x800xi32, #tpu.memory_space<vmem>> -> memref<1x800xi32, #tpu.memory_space<vmem>>
        %dma_start3A_399 = tpu.memref_squeeze %dma_start3A_398 : memref<1x800xi32, #tpu.memory_space<vmem>> -> memref<800xi32, #tpu.memory_space<vmem>>
        %dma_start3A_400 = arith.constant 560 : i32
        %dma_start3A_401 = tpu.memref_slice %dma_start3A_399[%dma_start3A_400] : memref<800xi32, #tpu.memory_space<vmem>> -> memref<80xi32, #tpu.memory_space<vmem>>
        %dma_start3A_402 = arith.constant 0 : i32
        %dma_start3A_403 = arith.constant 0 : i32
        %dma_start3A_404 = tpu.memref_slice %arg2[%dma_start3A_402, %dma_start3A_403] : memref<1048576x32xi32, #tpu.memory_space<hbm>> -> memref<1048576x32xi32, #tpu.memory_space<hbm>>
        tpu.enqueue_indirect_dma source(%dma_start3A_404 : memref<1048576x32xi32, #tpu.memory_space<hbm>>) target(%dma_start3A_396 : memref<80x32xi32, #tpu.memory_space<vmem>>) offsets(%dma_start3A_401 : memref<80xi32, #tpu.memory_space<vmem>>) semaphore(%arg9 : memref<!tpu.dma_semaphore, #tpu.memory_space<semaphore_mem>>)
        %dma_start3A_405 = arith.constant 1 : i32
        %dma_start3A_406 = arith.constant 1 : i32
        %dma_start3A_407 = arith.constant 0 : i32
        %dma_start3A_408 = arith.constant 0 : i32
        %dma_start3A_409 = tpu.memref_slice %arg6[%dma_start3A_406, %dma_start3A_407, %dma_start3A_408] : memref<2x800x32xi32, #tpu.memory_space<vmem>> -> memref<1x800x32xi32, #tpu.memory_space<vmem>>
        %dma_start3A_410 = tpu.memref_squeeze %dma_start3A_409 : memref<1x800x32xi32, #tpu.memory_space<vmem>> -> memref<800x32xi32, #tpu.memory_space<vmem>>
        %dma_start3A_411 = arith.constant 640 : i32
        %dma_start3A_412 = arith.constant 0 : i32
        %dma_start3A_413 = tpu.memref_slice %dma_start3A_410[%dma_start3A_411, %dma_start3A_412] : memref<800x32xi32, #tpu.memory_space<vmem>> -> memref<80x32xi32, #tpu.memory_space<vmem>>
        %dma_start3A_414 = arith.constant 0 : i32
        %dma_start3A_415 = tpu.memref_slice %arg5[%dma_start3A_405, %dma_start3A_414] : memref<2x800xi32, #tpu.memory_space<vmem>> -> memref<1x800xi32, #tpu.memory_space<vmem>>
        %dma_start3A_416 = tpu.memref_squeeze %dma_start3A_415 : memref<1x800xi32, #tpu.memory_space<vmem>> -> memref<800xi32, #tpu.memory_space<vmem>>
        %dma_start3A_417 = arith.constant 640 : i32
        %dma_start3A_418 = tpu.memref_slice %dma_start3A_416[%dma_start3A_417] : memref<800xi32, #tpu.memory_space<vmem>> -> memref<80xi32, #tpu.memory_space<vmem>>
        %dma_start3A_419 = arith.constant 0 : i32
        %dma_start3A_420 = arith.constant 0 : i32
        %dma_start3A_421 = tpu.memref_slice %arg2[%dma_start3A_419, %dma_start3A_420] : memref<1048576x32xi32, #tpu.memory_space<hbm>> -> memref<1048576x32xi32, #tpu.memory_space<hbm>>
        tpu.enqueue_indirect_dma source(%dma_start3A_421 : memref<1048576x32xi32, #tpu.memory_space<hbm>>) target(%dma_start3A_413 : memref<80x32xi32, #tpu.memory_space<vmem>>) offsets(%dma_start3A_418 : memref<80xi32, #tpu.memory_space<vmem>>) semaphore(%arg9 : memref<!tpu.dma_semaphore, #tpu.memory_space<semaphore_mem>>)
        %dma_start3A_422 = arith.constant 1 : i32
        %dma_start3A_423 = arith.constant 1 : i32
        %dma_start3A_424 = arith.constant 0 : i32
        %dma_start3A_425 = arith.constant 0 : i32
        %dma_start3A_426 = tpu.memref_slice %arg6[%dma_start3A_423, %dma_start3A_424, %dma_start3A_425] : memref<2x800x32xi32, #tpu.memory_space<vmem>> -> memref<1x800x32xi32, #tpu.memory_space<vmem>>
        %dma_start3A_427 = tpu.memref_squeeze %dma_start3A_426 : memref<1x800x32xi32, #tpu.memory_space<vmem>> -> memref<800x32xi32, #tpu.memory_space<vmem>>
        %dma_start3A_428 = arith.constant 720 : i32
        %dma_start3A_429 = arith.constant 0 : i32
        %dma_start3A_430 = tpu.memref_slice %dma_start3A_427[%dma_start3A_428, %dma_start3A_429] : memref<800x32xi32, #tpu.memory_space<vmem>> -> memref<80x32xi32, #tpu.memory_space<vmem>>
        %dma_start3A_431 = arith.constant 0 : i32
        %dma_start3A_432 = tpu.memref_slice %arg5[%dma_start3A_422, %dma_start3A_431] : memref<2x800xi32, #tpu.memory_space<vmem>> -> memref<1x800xi32, #tpu.memory_space<vmem>>
        %dma_start3A_433 = tpu.memref_squeeze %dma_start3A_432 : memref<1x800xi32, #tpu.memory_space<vmem>> -> memref<800xi32, #tpu.memory_space<vmem>>
        %dma_start3A_434 = arith.constant 720 : i32
        %dma_start3A_435 = tpu.memref_slice %dma_start3A_433[%dma_start3A_434] : memref<800xi32, #tpu.memory_space<vmem>> -> memref<80xi32, #tpu.memory_space<vmem>>
        %dma_start3A_436 = arith.constant 0 : i32
        %dma_start3A_437 = arith.constant 0 : i32
        %dma_start3A_438 = tpu.memref_slice %arg2[%dma_start3A_436, %dma_start3A_437] : memref<1048576x32xi32, #tpu.memory_space<hbm>> -> memref<1048576x32xi32, #tpu.memory_space<hbm>>
        tpu.enqueue_indirect_dma source(%dma_start3A_438 : memref<1048576x32xi32, #tpu.memory_space<hbm>>) target(%dma_start3A_430 : memref<80x32xi32, #tpu.memory_space<vmem>>) offsets(%dma_start3A_435 : memref<80xi32, #tpu.memory_space<vmem>>) semaphore(%arg9 : memref<!tpu.dma_semaphore, #tpu.memory_space<semaphore_mem>>)
      } else {
      }
      %dma_wait3A = arith.constant 0 : i32
      %dma_wait3A_196 = arith.constant 0 : i32
      %dma_wait3A_197 = arith.constant 0 : i32
      %dma_wait3A_198 = tpu.memref_slice %arg6[%dma_wait3A, %dma_wait3A_196, %dma_wait3A_197] : memref<2x800x32xi32, #tpu.memory_space<vmem>> -> memref<1x800x32xi32, #tpu.memory_space<vmem>>
      %dma_wait3A_199 = tpu.memref_squeeze %dma_wait3A_198 : memref<1x800x32xi32, #tpu.memory_space<vmem>> -> memref<800x32xi32, #tpu.memory_space<vmem>>
      %dma_wait3A_200 = arith.constant 0 : i32
      %dma_wait3A_201 = arith.constant 0 : i32
      %dma_wait3A_202 = tpu.memref_slice %arg2[%dma_wait3A_200, %dma_wait3A_201] : memref<1048576x32xi32, #tpu.memory_space<hbm>> -> memref<800x32xi32, #tpu.memory_space<hbm>>
      %dma_wait3A_203 = arith.constant 0 : i32
      %dma_wait3A_204 = arith.constant 0 : i32
      %dma_wait3A_205 = tpu.memref_slice %arg6[%dma_wait3A, %dma_wait3A_203, %dma_wait3A_204] : memref<2x800x32xi32, #tpu.memory_space<vmem>> -> memref<1x800x32xi32, #tpu.memory_space<vmem>>
      %dma_wait3A_206 = tpu.memref_squeeze %dma_wait3A_205 : memref<1x800x32xi32, #tpu.memory_space<vmem>> -> memref<800x32xi32, #tpu.memory_space<vmem>>
      %dma_wait3A_207 = arith.constant 0 : i32
      %dma_wait3A_208 = arith.constant 0 : i32
      %dma_wait3A_209 = tpu.memref_slice %arg2[%dma_wait3A_207, %dma_wait3A_208] : memref<1048576x32xi32, #tpu.memory_space<hbm>> -> memref<800x32xi32, #tpu.memory_space<hbm>>
      tpu.wait_dma2 semaphore(%arg8 : memref<!tpu.dma_semaphore, #tpu.memory_space<semaphore_mem>>) src(%dma_wait3A_209 : memref<800x32xi32, #tpu.memory_space<hbm>>) dst(%dma_wait3A_206 : memref<800x32xi32, #tpu.memory_space<vmem>>)
      %scan3A_210 = arith.constant 0 : i32
      %scan3A_211 = arith.constant 16 : i32
      %scan3A_212 = arith.addi %scan3A_210, %scan3A_211 : i32
      %scan3A_213 = arith.constant 1 : i32
      scf.for %scan3A_254 = %scan3A_210 to %scan3A_212 step %scan3A_213  : i32 {
        %mul3A_255 = arith.constant 1 : i32
        %mul3A_256 = arith.muli %scan3A_254, %mul3A_255 : i32
        %add3A_257 = arith.constant 0 : i32
        %add3A_258 = arith.addi %add3A_257, %mul3A_256 : i32
        %mul3A_259 = arith.constant 50 : i32
        %mul3A_260 = arith.muli %add3A_258, %mul3A_259 : i32
        %broadcast_in_dim3A = arith.constant 0.000000e+00 : f32
        %broadcast_in_dim3A_261 = vector.broadcast %broadcast_in_dim3A : f32 to vector<16xf32>
        %broadcast_in_dim3A_262 = arith.constant 0.000000e+00 : f32
        %broadcast_in_dim3A_263 = vector.broadcast %broadcast_in_dim3A_262 : f32 to vector<16xf32>
        %broadcast_in_dim3A_264 = arith.constant 0.000000e+00 : f32
        %broadcast_in_dim3A_265 = vector.broadcast %broadcast_in_dim3A_264 : f32 to vector<16xf32>
        %broadcast_in_dim3A_266 = arith.constant 0.000000e+00 : f32
        %broadcast_in_dim3A_267 = vector.broadcast %broadcast_in_dim3A_266 : f32 to vector<16xf32>
        %scan3A_268 = arith.constant 0 : i32
        %scan3A_269 = arith.constant 10 : i32
        %scan3A_270 = arith.addi %scan3A_268, %scan3A_269 : i32
        %scan3A_271 = arith.constant 1 : i32
        %scan3A_272:4 = scf.for %scan3A_285 = %scan3A_268 to %scan3A_270 step %scan3A_271 iter_args(%scan3A_286 = %broadcast_in_dim3A_261, %scan3A_287 = %broadcast_in_dim3A_263, %scan3A_288 = %broadcast_in_dim3A_265, %scan3A_289 = %broadcast_in_dim3A_267) -> (vector<16xf32>, vector<16xf32>, vector<16xf32>, vector<16xf32>)  : i32 {
          %mul3A_290 = arith.constant 5 : i32
          %mul3A_291 = arith.muli %scan3A_285, %mul3A_290 : i32
          %add3A_292 = arith.addi %mul3A_260, %mul3A_291 : i32
          %add3A_293 = arith.constant 0 : i32
          %add3A_294 = arith.addi %add3A_292, %add3A_293 : i32
          %get3A = arith.constant 0 : i32
          %get3A_295 = arith.index_cast %get3A : i32 to index
          %get3A_296 = arith.index_cast %add3A_294 : i32 to index
          %get3A_297 = arith.constant 0 : index
          %get3A_298 = tpu.vector_load %arg6[%get3A_295, %get3A_296, %get3A_297] {strides = array<i32>} : memref<2x800x32xi32, #tpu.memory_space<vmem>>, vector<16xi32>,
          %bitcast3A = vector.bitcast %get3A_298 : vector<16xi32> to vector<32xbf16>
          %unpack3A = tpu.unpack_subelements %bitcast3A, 0 {pack_format = #tpu.pack_format<interleaved>} : vector<32xbf16> -> vector<16xf32>
          %unpack3A_299 = tpu.unpack_subelements %bitcast3A, 1 {pack_format = #tpu.pack_format<interleaved>} : vector<32xbf16> -> vector<16xf32>
          %add3A_300 = arith.addf %scan3A_286, %unpack3A : vector<16xf32>
          %add3A_301 = arith.addf %scan3A_287, %unpack3A_299 : vector<16xf32>
          %add3A_302 = arith.constant 0 : i32
          %add3A_303 = arith.addi %add3A_292, %add3A_302 : i32
          %get3A_304 = arith.constant 0 : i32
          %get3A_305 = arith.index_cast %get3A_304 : i32 to index
          %get3A_306 = arith.index_cast %add3A_303 : i32 to index
          %get3A_307 = arith.constant 16 : index
          %get3A_308 = tpu.vector_load %arg6[%get3A_305, %get3A_306, %get3A_307] {strides = array<i32>} : memref<2x800x32xi32, #tpu.memory_space<vmem>>, vector<16xi32>,
          %bitcast3A_309 = vector.bitcast %get3A_308 : vector<16xi32> to vector<32xbf16>
          %unpack3A_310 = tpu.unpack_subelements %bitcast3A_309, 0 {pack_format = #tpu.pack_format<interleaved>} : vector<32xbf16> -> vector<16xf32>
          %unpack3A_311 = tpu.unpack_subelements %bitcast3A_309, 1 {pack_format = #tpu.pack_format<interleaved>} : vector<32xbf16> -> vector<16xf32>
          %add3A_312 = arith.addf %scan3A_288, %unpack3A_310 : vector<16xf32>
          %add3A_313 = arith.addf %scan3A_289, %unpack3A_311 : vector<16xf32>
          %add3A_314 = arith.constant 1 : i32
          %add3A_315 = arith.addi %add3A_292, %add3A_314 : i32
          %get3A_316 = arith.constant 0 : i32
          %get3A_317 = arith.index_cast %get3A_316 : i32 to index
          %get3A_318 = arith.index_cast %add3A_315 : i32 to index
          %get3A_319 = arith.constant 0 : index
          %get3A_320 = tpu.vector_load %arg6[%get3A_317, %get3A_318, %get3A_319] {strides = array<i32>} : memref<2x800x32xi32, #tpu.memory_space<vmem>>, vector<16xi32>,
          %bitcast3A_321 = vector.bitcast %get3A_320 : vector<16xi32> to vector<32xbf16>
          %unpack3A_322 = tpu.unpack_subelements %bitcast3A_321, 0 {pack_format = #tpu.pack_format<interleaved>} : vector<32xbf16> -> vector<16xf32>
          %unpack3A_323 = tpu.unpack_subelements %bitcast3A_321, 1 {pack_format = #tpu.pack_format<interleaved>} : vector<32xbf16> -> vector<16xf32>
          %add3A_324 = arith.addf %add3A_300, %unpack3A_322 : vector<16xf32>
          %add3A_325 = arith.addf %add3A_301, %unpack3A_323 : vector<16xf32>
          %add3A_326 = arith.constant 1 : i32
          %add3A_327 = arith.addi %add3A_292, %add3A_326 : i32
          %get3A_328 = arith.constant 0 : i32
          %get3A_329 = arith.index_cast %get3A_328 : i32 to index
          %get3A_330 = arith.index_cast %add3A_327 : i32 to index
          %get3A_331 = arith.constant 16 : index
          %get3A_332 = tpu.vector_load %arg6[%get3A_329, %get3A_330, %get3A_331] {strides = array<i32>} : memref<2x800x32xi32, #tpu.memory_space<vmem>>, vector<16xi32>,
          %bitcast3A_333 = vector.bitcast %get3A_332 : vector<16xi32> to vector<32xbf16>
          %unpack3A_334 = tpu.unpack_subelements %bitcast3A_333, 0 {pack_format = #tpu.pack_format<interleaved>} : vector<32xbf16> -> vector<16xf32>
          %unpack3A_335 = tpu.unpack_subelements %bitcast3A_333, 1 {pack_format = #tpu.pack_format<interleaved>} : vector<32xbf16> -> vector<16xf32>
          %add3A_336 = arith.addf %add3A_312, %unpack3A_334 : vector<16xf32>
          %add3A_337 = arith.addf %add3A_313, %unpack3A_335 : vector<16xf32>
          %add3A_338 = arith.constant 2 : i32
          %add3A_339 = arith.addi %add3A_292, %add3A_338 : i32
          %get3A_340 = arith.constant 0 : i32
          %get3A_341 = arith.index_cast %get3A_340 : i32 to index
          %get3A_342 = arith.index_cast %add3A_339 : i32 to index
          %get3A_343 = arith.constant 0 : index
          %get3A_344 = tpu.vector_load %arg6[%get3A_341, %get3A_342, %get3A_343] {strides = array<i32>} : memref<2x800x32xi32, #tpu.memory_space<vmem>>, vector<16xi32>,
          %bitcast3A_345 = vector.bitcast %get3A_344 : vector<16xi32> to vector<32xbf16>
          %unpack3A_346 = tpu.unpack_subelements %bitcast3A_345, 0 {pack_format = #tpu.pack_format<interleaved>} : vector<32xbf16> -> vector<16xf32>
          %unpack3A_347 = tpu.unpack_subelements %bitcast3A_345, 1 {pack_format = #tpu.pack_format<interleaved>} : vector<32xbf16> -> vector<16xf32>
          %add3A_348 = arith.addf %add3A_324, %unpack3A_346 : vector<16xf32>
          %add3A_349 = arith.addf %add3A_325, %unpack3A_347 : vector<16xf32>
          %add3A_350 = arith.constant 2 : i32
          %add3A_351 = arith.addi %add3A_292, %add3A_350 : i32
          %get3A_352 = arith.constant 0 : i32
          %get3A_353 = arith.index_cast %get3A_352 : i32 to index
          %get3A_354 = arith.index_cast %add3A_351 : i32 to index
          %get3A_355 = arith.constant 16 : index
          %get3A_356 = tpu.vector_load %arg6[%get3A_353, %get3A_354, %get3A_355] {strides = array<i32>} : memref<2x800x32xi32, #tpu.memory_space<vmem>>, vector<16xi32>,
          %bitcast3A_357 = vector.bitcast %get3A_356 : vector<16xi32> to vector<32xbf16>
          %unpack3A_358 = tpu.unpack_subelements %bitcast3A_357, 0 {pack_format = #tpu.pack_format<interleaved>} : vector<32xbf16> -> vector<16xf32>
          %unpack3A_359 = tpu.unpack_subelements %bitcast3A_357, 1 {pack_format = #tpu.pack_format<interleaved>} : vector<32xbf16> -> vector<16xf32>
          %add3A_360 = arith.addf %add3A_336, %unpack3A_358 : vector<16xf32>
          %add3A_361 = arith.addf %add3A_337, %unpack3A_359 : vector<16xf32>
          %add3A_362 = arith.constant 3 : i32
          %add3A_363 = arith.addi %add3A_292, %add3A_362 : i32
          %get3A_364 = arith.constant 0 : i32
          %get3A_365 = arith.index_cast %get3A_364 : i32 to index
          %get3A_366 = arith.index_cast %add3A_363 : i32 to index
          %get3A_367 = arith.constant 0 : index
          %get3A_368 = tpu.vector_load %arg6[%get3A_365, %get3A_366, %get3A_367] {strides = array<i32>} : memref<2x800x32xi32, #tpu.memory_space<vmem>>, vector<16xi32>,
          %bitcast3A_369 = vector.bitcast %get3A_368 : vector<16xi32> to vector<32xbf16>
          %unpack3A_370 = tpu.unpack_subelements %bitcast3A_369, 0 {pack_format = #tpu.pack_format<interleaved>} : vector<32xbf16> -> vector<16xf32>
          %unpack3A_371 = tpu.unpack_subelements %bitcast3A_369, 1 {pack_format = #tpu.pack_format<interleaved>} : vector<32xbf16> -> vector<16xf32>
          %add3A_372 = arith.addf %add3A_348, %unpack3A_370 : vector<16xf32>
          %add3A_373 = arith.addf %add3A_349, %unpack3A_371 : vector<16xf32>
          %add3A_374 = arith.constant 3 : i32
          %add3A_375 = arith.addi %add3A_292, %add3A_374 : i32
          %get3A_376 = arith.constant 0 : i32
          %get3A_377 = arith.index_cast %get3A_376 : i32 to index
          %get3A_378 = arith.index_cast %add3A_375 : i32 to index
          %get3A_379 = arith.constant 16 : index
          %get3A_380 = tpu.vector_load %arg6[%get3A_377, %get3A_378, %get3A_379] {strides = array<i32>} : memref<2x800x32xi32, #tpu.memory_space<vmem>>, vector<16xi32>,
          %bitcast3A_381 = vector.bitcast %get3A_380 : vector<16xi32> to vector<32xbf16>
          %unpack3A_382 = tpu.unpack_subelements %bitcast3A_381, 0 {pack_format = #tpu.pack_format<interleaved>} : vector<32xbf16> -> vector<16xf32>
          %unpack3A_383 = tpu.unpack_subelements %bitcast3A_381, 1 {pack_format = #tpu.pack_format<interleaved>} : vector<32xbf16> -> vector<16xf32>
          %add3A_384 = arith.addf %add3A_360, %unpack3A_382 : vector<16xf32>
          %add3A_385 = arith.addf %add3A_361, %unpack3A_383 : vector<16xf32>
          %add3A_386 = arith.constant 4 : i32
          %add3A_387 = arith.addi %add3A_292, %add3A_386 : i32
          %get3A_388 = arith.constant 0 : i32
          %get3A_389 = arith.index_cast %get3A_388 : i32 to index
          %get3A_390 = arith.index_cast %add3A_387 : i32 to index
          %get3A_391 = arith.constant 0 : index
          %get3A_392 = tpu.vector_load %arg6[%get3A_389, %get3A_390, %get3A_391] {strides = array<i32>} : memref<2x800x32xi32, #tpu.memory_space<vmem>>, vector<16xi32>,
          %bitcast3A_393 = vector.bitcast %get3A_392 : vector<16xi32> to vector<32xbf16>
          %unpack3A_394 = tpu.unpack_subelements %bitcast3A_393, 0 {pack_format = #tpu.pack_format<interleaved>} : vector<32xbf16> -> vector<16xf32>
          %unpack3A_395 = tpu.unpack_subelements %bitcast3A_393, 1 {pack_format = #tpu.pack_format<interleaved>} : vector<32xbf16> -> vector<16xf32>
          %add3A_396 = arith.addf %add3A_372, %unpack3A_394 : vector<16xf32>
          %add3A_397 = arith.addf %add3A_373, %unpack3A_395 : vector<16xf32>
          %add3A_398 = arith.constant 4 : i32
          %add3A_399 = arith.addi %add3A_292, %add3A_398 : i32
          %get3A_400 = arith.constant 0 : i32
          %get3A_401 = arith.index_cast %get3A_400 : i32 to index
          %get3A_402 = arith.index_cast %add3A_399 : i32 to index
          %get3A_403 = arith.constant 16 : index
          %get3A_404 = tpu.vector_load %arg6[%get3A_401, %get3A_402, %get3A_403] {strides = array<i32>} : memref<2x800x32xi32, #tpu.memory_space<vmem>>, vector<16xi32>,
          %bitcast3A_405 = vector.bitcast %get3A_404 : vector<16xi32> to vector<32xbf16>
          %unpack3A_406 = tpu.unpack_subelements %bitcast3A_405, 0 {pack_format = #tpu.pack_format<interleaved>} : vector<32xbf16> -> vector<16xf32>
          %unpack3A_407 = tpu.unpack_subelements %bitcast3A_405, 1 {pack_format = #tpu.pack_format<interleaved>} : vector<32xbf16> -> vector<16xf32>
          %add3A_408 = arith.addf %add3A_384, %unpack3A_406 : vector<16xf32>
          %add3A_409 = arith.addf %add3A_385, %unpack3A_407 : vector<16xf32>
          scf.yield %add3A_396, %add3A_397, %add3A_408, %add3A_409 : vector<16xf32>, vector<16xf32>, vector<16xf32>, vector<16xf32>
        }
        %scan3A_273 = arith.constant 10 : i32
        %swap3A = arith.index_cast %add3A_258 : i32 to index
        %swap3A_274 = arith.constant 0 : index
        %swap3A_275 = tpu.vector_load %arg7[%swap3A, %swap3A_274] {strides = array<i32>} : memref<16x64xf32, #tpu.memory_space<vmem>>, vector<16xf32>,
        tpu.vector_store %arg7[%swap3A, %swap3A_274], %scan3A_272#0 {strides = array<i32>} : memref<16x64xf32, #tpu.memory_space<vmem>>, vector<16xf32>,
        %swap3A_276 = arith.index_cast %add3A_258 : i32 to index
        %swap3A_277 = arith.constant 16 : index
        %swap3A_278 = tpu.vector_load %arg7[%swap3A_276, %swap3A_277] {strides = array<i32>} : memref<16x64xf32, #tpu.memory_space<vmem>>, vector<16xf32>,
        tpu.vector_store %arg7[%swap3A_276, %swap3A_277], %scan3A_272#1 {strides = array<i32>} : memref<16x64xf32, #tpu.memory_space<vmem>>, vector<16xf32>,
        %swap3A_279 = arith.index_cast %add3A_258 : i32 to index
        %swap3A_280 = arith.constant 32 : index
        %swap3A_281 = tpu.vector_load %arg7[%swap3A_279, %swap3A_280] {strides = array<i32>} : memref<16x64xf32, #tpu.memory_space<vmem>>, vector<16xf32>,
        tpu.vector_store %arg7[%swap3A_279, %swap3A_280], %scan3A_272#2 {strides = array<i32>} : memref<16x64xf32, #tpu.memory_space<vmem>>, vector<16xf32>,
        %swap3A_282 = arith.index_cast %add3A_258 : i32 to index
        %swap3A_283 = arith.constant 48 : index
        %swap3A_284 = tpu.vector_load %arg7[%swap3A_282, %swap3A_283] {strides = array<i32>} : memref<16x64xf32, #tpu.memory_space<vmem>>, vector<16xf32>,
        tpu.vector_store %arg7[%swap3A_282, %swap3A_283], %scan3A_272#3 {strides = array<i32>} : memref<16x64xf32, #tpu.memory_space<vmem>>, vector<16xf32>,
      }
      %scan3A_214 = arith.constant 16 : i32
      %mul3A_215 = arith.constant 512 : i32
      %mul3A_216 = arith.muli %add3A, %mul3A_215 : i32
      %mul3A_217 = arith.constant 16 : i32
      %mul3A_218 = arith.muli %add3A_191, %mul3A_217 : i32
      %add3A_219 = arith.addi %mul3A_216, %mul3A_218 : i32
      "tpu.region"() ({
        %run_scoped3A_254 = tpu.sem_alloc : memref<!tpu.dma_semaphore, #tpu.memory_space<semaphore_mem>>
        %dma_start3A_255 = arith.constant 0 : i32
        %dma_start3A_256 = tpu.memref_slice %arg4[%add3A_219, %dma_start3A_255] : memref<16384x64xf32, #tpu.memory_space<hbm>> -> memref<16x64xf32, #tpu.memory_space<hbm>>
        %dma_start3A_257 = arith.constant 0 : i32
        %dma_start3A_258 = tpu.memref_slice %arg4[%add3A_219, %dma_start3A_257] : memref<16384x64xf32, #tpu.memory_space<hbm>> -> memref<16x64xf32, #tpu.memory_space<hbm>>
        tpu.enqueue_dma source(%arg7 : memref<16x64xf32, #tpu.memory_space<vmem>>) target(%dma_start3A_258 : memref<16x64xf32, #tpu.memory_space<hbm>>) target_semaphore(%run_scoped3A_254 : memref<!tpu.dma_semaphore, #tpu.memory_space<semaphore_mem>>)
        %dma_wait3A_259 = arith.constant 0 : i32
        %dma_wait3A_260 = tpu.memref_slice %arg4[%add3A_219, %dma_wait3A_259] : memref<16384x64xf32, #tpu.memory_space<hbm>> -> memref<16x64xf32, #tpu.memory_space<hbm>>
        %dma_wait3A_261 = arith.constant 0 : i32
        %dma_wait3A_262 = tpu.memref_slice %arg4[%add3A_219, %dma_wait3A_261] : memref<16384x64xf32, #tpu.memory_space<hbm>> -> memref<16x64xf32, #tpu.memory_space<hbm>>
        tpu.wait_dma2 semaphore(%run_scoped3A_254 : memref<!tpu.dma_semaphore, #tpu.memory_space<semaphore_mem>>) src(%arg7 : memref<16x64xf32, #tpu.memory_space<vmem>>) dst(%dma_wait3A_262 : memref<16x64xf32, #tpu.memory_space<hbm>>)
        tpu.yield
      }) : () -> ()
      %add3A_220 = arith.constant 1 : i32
      %add3A_221 = arith.addi %add3A_189, %add3A_220 : i32
      %add3A_222 = arith.constant 1 : i32
      %add3A_223 = arith.addi %add3A_221, %add3A_222 : i32
      %lt3A_224 = arith.constant 32 : i32
      %lt3A_225 = arith.cmpi slt, %add3A_223, %lt3A_224 : i32
      %convert_element_type3A_226 = arith.extui %lt3A_225 : i1 to i32
      %cond3A_227 = arith.constant 0 : i32
      %cond3A_228 = arith.cmpi ne, %convert_element_type3A_226, %cond3A_227 : i32
      scf.if %cond3A_228 {
        %add3A_254 = arith.constant 1 : i32
        %add3A_255 = arith.addi %add3A_221, %add3A_254 : i32
        %mul3A_256 = arith.constant 512 : i32
        %mul3A_257 = arith.muli %add3A, %mul3A_256 : i32
        %mul3A_258 = arith.constant 16 : i32
        %mul3A_259 = arith.muli %add3A_255, %mul3A_258 : i32
        %add3A_260 = arith.addi %mul3A_257, %mul3A_259 : i32
        %mul3A_261 = arith.constant 50 : i32
        %mul3A_262 = arith.muli %add3A_260, %mul3A_261 : i32
        %run_scoped3A_263 = arith.constant 0 : i32
        "tpu.region"() ({
          %run_scoped3A_439 = tpu.sem_alloc : memref<!tpu.dma_semaphore, #tpu.memory_space<semaphore_mem>>
          %dma_start3A_440 = arith.constant 0 : i32
          %dma_start3A_441 = tpu.memref_slice %arg5[%run_scoped3A_263, %dma_start3A_440] : memref<2x800xi32, #tpu.memory_space<vmem>> -> memref<1x800xi32, #tpu.memory_space<vmem>>
          %dma_start3A_442 = tpu.memref_squeeze %dma_start3A_441 : memref<1x800xi32, #tpu.memory_space<vmem>> -> memref<800xi32, #tpu.memory_space<vmem>>
          %dma_start3A_443 = tpu.memref_slice %arg3[%mul3A_262] : memref<819200xi32, #tpu.memory_space<hbm>> -> memref<800xi32, #tpu.memory_space<hbm>>
          %dma_start3A_444 = arith.constant 0 : i32
          %dma_start3A_445 = tpu.memref_slice %arg5[%run_scoped3A_263, %dma_start3A_444] : memref<2x800xi32, #tpu.memory_space<vmem>> -> memref<1x800xi32, #tpu.memory_space<vmem>>
          %dma_start3A_446 = tpu.memref_squeeze %dma_start3A_445 : memref<1x800xi32, #tpu.memory_space<vmem>> -> memref<800xi32, #tpu.memory_space<vmem>>
          %dma_start3A_447 = tpu.memref_slice %arg3[%mul3A_262] : memref<819200xi32, #tpu.memory_space<hbm>> -> memref<800xi32, #tpu.memory_space<hbm>>
          tpu.enqueue_dma source(%dma_start3A_447 : memref<800xi32, #tpu.memory_space<hbm>>) target(%dma_start3A_446 : memref<800xi32, #tpu.memory_space<vmem>>) target_semaphore(%run_scoped3A_439 : memref<!tpu.dma_semaphore, #tpu.memory_space<semaphore_mem>>)
          %dma_wait3A_448 = arith.constant 0 : i32
          %dma_wait3A_449 = tpu.memref_slice %arg5[%run_scoped3A_263, %dma_wait3A_448] : memref<2x800xi32, #tpu.memory_space<vmem>> -> memref<1x800xi32, #tpu.memory_space<vmem>>
          %dma_wait3A_450 = tpu.memref_squeeze %dma_wait3A_449 : memref<1x800xi32, #tpu.memory_space<vmem>> -> memref<800xi32, #tpu.memory_space<vmem>>
          %dma_wait3A_451 = tpu.memref_slice %arg3[%mul3A_262] : memref<819200xi32, #tpu.memory_space<hbm>> -> memref<800xi32, #tpu.memory_space<hbm>>
          %dma_wait3A_452 = arith.constant 0 : i32
          %dma_wait3A_453 = tpu.memref_slice %arg5[%run_scoped3A_263, %dma_wait3A_452] : memref<2x800xi32, #tpu.memory_space<vmem>> -> memref<1x800xi32, #tpu.memory_space<vmem>>
          %dma_wait3A_454 = tpu.memref_squeeze %dma_wait3A_453 : memref<1x800xi32, #tpu.memory_space<vmem>> -> memref<800xi32, #tpu.memory_space<vmem>>
          %dma_wait3A_455 = tpu.memref_slice %arg3[%mul3A_262] : memref<819200xi32, #tpu.memory_space<hbm>> -> memref<800xi32, #tpu.memory_space<hbm>>
          tpu.wait_dma2 semaphore(%run_scoped3A_439 : memref<!tpu.dma_semaphore, #tpu.memory_space<semaphore_mem>>) src(%dma_wait3A_455 : memref<800xi32, #tpu.memory_space<hbm>>) dst(%dma_wait3A_454 : memref<800xi32, #tpu.memory_space<vmem>>)
          tpu.yield
        }) : () -> ()
        %scan3A_264 = arith.constant 0 : i32
        %scan3A_265 = arith.constant 50 : i32
        %scan3A_266 = arith.addi %scan3A_264, %scan3A_265 : i32
        %scan3A_267 = arith.constant 1 : i32
        scf.for %scan3A_439 = %scan3A_264 to %scan3A_266 step %scan3A_267  : i32 {
          %mul3A_440 = arith.constant 1 : i32
          %mul3A_441 = arith.muli %scan3A_439, %mul3A_440 : i32
          %add3A_442 = arith.constant 0 : i32
          %add3A_443 = arith.addi %add3A_442, %mul3A_441 : i32
          %mul3A_444 = arith.constant 16 : i32
          %mul3A_445 = arith.muli %add3A_443, %mul3A_444 : i32
          %get3A = arith.constant 0 : i32
          %get3A_446 = arith.index_cast %get3A : i32 to index
          %get3A_447 = arith.index_cast %mul3A_445 : i32 to index
          %get3A_448 = tpu.vector_load %arg5[%get3A_446, %get3A_447] {strides = array<i32>} : memref<2x800xi32, #tpu.memory_space<vmem>>, vector<16xi32>,
          %ge3A = arith.constant 262144 : i32
          %ge3A_449 = vector.broadcast %ge3A : i32 to vector<16xi32>
          %ge3A_450 = arith.cmpi sge, %get3A_448, %ge3A_449 : vector<16xi32>
          %convert_element_type3A_451 = arith.extui %ge3A_450 : vector<16xi1> to vector<16xi32>
          %ge3A_452 = arith.constant 524288 : i32
          %ge3A_453 = vector.broadcast %ge3A_452 : i32 to vector<16xi32>
          %ge3A_454 = arith.cmpi sge, %get3A_448, %ge3A_453 : vector<16xi32>
          %convert_element_type3A_455 = arith.extui %ge3A_454 : vector<16xi1> to vector<16xi32>
          %add3A_456 = arith.addi %convert_element_type3A_451, %convert_element_type3A_455 : vector<16xi32>
          %ge3A_457 = arith.constant 786432 : i32
          %ge3A_458 = vector.broadcast %ge3A_457 : i32 to vector<16xi32>
          %ge3A_459 = arith.cmpi sge, %get3A_448, %ge3A_458 : vector<16xi32>
          %convert_element_type3A_460 = arith.extui %ge3A_459 : vector<16xi1> to vector<16xi32>
          %add3A_461 = arith.addi %add3A_456, %convert_element_type3A_460 : vector<16xi32>
          %mul3A_462 = arith.constant 4 : i32
          %mul3A_463 = vector.broadcast %mul3A_462 : i32 to vector<16xi32>
          %mul3A_464 = arith.muli %mul3A_463, %get3A_448 : vector<16xi32>
          %mul3A_465 = arith.constant 1048575 : i32
          %mul3A_466 = vector.broadcast %mul3A_465 : i32 to vector<16xi32>
          %mul3A_467 = arith.muli %add3A_461, %mul3A_466 : vector<16xi32>
          %sub3A = arith.subi %mul3A_464, %mul3A_467 : vector<16xi32>
          %mul3A_468 = arith.constant 16 : i32
          %mul3A_469 = arith.muli %add3A_443, %mul3A_468 : i32
          %swap3A = arith.constant 0 : i32
          %swap3A_470 = arith.index_cast %swap3A : i32 to index
          %swap3A_471 = arith.index_cast %mul3A_469 : i32 to index
          %swap3A_472 = tpu.vector_load %arg5[%swap3A_470, %swap3A_471] {strides = array<i32>} : memref<2x800xi32, #tpu.memory_space<vmem>>, vector<16xi32>,
          tpu.vector_store %arg5[%swap3A_470, %swap3A_471], %sub3A {strides = array<i32>} : memref<2x800xi32, #tpu.memory_space<vmem>>, vector<16xi32>,
        }
        %scan3A_268 = arith.constant 50 : i32
        %dma_start3A_269 = arith.constant 0 : i32
        %dma_start3A_270 = arith.constant 0 : i32
        %dma_start3A_271 = arith.constant 0 : i32
        %dma_start3A_272 = arith.constant 0 : i32
        %dma_start3A_273 = tpu.memref_slice %arg6[%dma_start3A_270, %dma_start3A_271, %dma_start3A_272] : memref<2x800x32xi32, #tpu.memory_space<vmem>> -> memref<1x800x32xi32, #tpu.memory_space<vmem>>
        %dma_start3A_274 = tpu.memref_squeeze %dma_start3A_273 : memref<1x800x32xi32, #tpu.memory_space<vmem>> -> memref<800x32xi32, #tpu.memory_space<vmem>>
        %dma_start3A_275 = arith.constant 0 : i32
        %dma_start3A_276 = arith.constant 0 : i32
        %dma_start3A_277 = tpu.memref_slice %dma_start3A_274[%dma_start3A_275, %dma_start3A_276] : memref<800x32xi32, #tpu.memory_space<vmem>> -> memref<80x32xi32, #tpu.memory_space<vmem>>
        %dma_start3A_278 = arith.constant 0 : i32
        %dma_start3A_279 = tpu.memref_slice %arg5[%dma_start3A_269, %dma_start3A_278] : memref<2x800xi32, #tpu.memory_space<vmem>> -> memref<1x800xi32, #tpu.memory_space<vmem>>
        %dma_start3A_280 = tpu.memref_squeeze %dma_start3A_279 : memref<1x800xi32, #tpu.memory_space<vmem>> -> memref<800xi32, #tpu.memory_space<vmem>>
        %dma_start3A_281 = arith.constant 0 : i32
        %dma_start3A_282 = tpu.memref_slice %dma_start3A_280[%dma_start3A_281] : memref<800xi32, #tpu.memory_space<vmem>> -> memref<80xi32, #tpu.memory_space<vmem>>
        %dma_start3A_283 = arith.constant 0 : i32
        %dma_start3A_284 = arith.constant 0 : i32
        %dma_start3A_285 = tpu.memref_slice %arg2[%dma_start3A_283, %dma_start3A_284] : memref<1048576x32xi32, #tpu.memory_space<hbm>> -> memref<1048576x32xi32, #tpu.memory_space<hbm>>
        tpu.enqueue_indirect_dma source(%dma_start3A_285 : memref<1048576x32xi32, #tpu.memory_space<hbm>>) target(%dma_start3A_277 : memref<80x32xi32, #tpu.memory_space<vmem>>) offsets(%dma_start3A_282 : memref<80xi32, #tpu.memory_space<vmem>>) semaphore(%arg8 : memref<!tpu.dma_semaphore, #tpu.memory_space<semaphore_mem>>)
        %dma_start3A_286 = arith.constant 0 : i32
        %dma_start3A_287 = arith.constant 0 : i32
        %dma_start3A_288 = arith.constant 0 : i32
        %dma_start3A_289 = arith.constant 0 : i32
        %dma_start3A_290 = tpu.memref_slice %arg6[%dma_start3A_287, %dma_start3A_288, %dma_start3A_289] : memref<2x800x32xi32, #tpu.memory_space<vmem>> -> memref<1x800x32xi32, #tpu.memory_space<vmem>>
        %dma_start3A_291 = tpu.memref_squeeze %dma_start3A_290 : memref<1x800x32xi32, #tpu.memory_space<vmem>> -> memref<800x32xi32, #tpu.memory_space<vmem>>
        %dma_start3A_292 = arith.constant 80 : i32
        %dma_start3A_293 = arith.constant 0 : i32
        %dma_start3A_294 = tpu.memref_slice %dma_start3A_291[%dma_start3A_292, %dma_start3A_293] : memref<800x32xi32, #tpu.memory_space<vmem>> -> memref<80x32xi32, #tpu.memory_space<vmem>>
        %dma_start3A_295 = arith.constant 0 : i32
        %dma_start3A_296 = tpu.memref_slice %arg5[%dma_start3A_286, %dma_start3A_295] : memref<2x800xi32, #tpu.memory_space<vmem>> -> memref<1x800xi32, #tpu.memory_space<vmem>>
        %dma_start3A_297 = tpu.memref_squeeze %dma_start3A_296 : memref<1x800xi32, #tpu.memory_space<vmem>> -> memref<800xi32, #tpu.memory_space<vmem>>
        %dma_start3A_298 = arith.constant 80 : i32
        %dma_start3A_299 = tpu.memref_slice %dma_start3A_297[%dma_start3A_298] : memref<800xi32, #tpu.memory_space<vmem>> -> memref<80xi32, #tpu.memory_space<vmem>>
        %dma_start3A_300 = arith.constant 0 : i32
        %dma_start3A_301 = arith.constant 0 : i32
        %dma_start3A_302 = tpu.memref_slice %arg2[%dma_start3A_300, %dma_start3A_301] : memref<1048576x32xi32, #tpu.memory_space<hbm>> -> memref<1048576x32xi32, #tpu.memory_space<hbm>>
        tpu.enqueue_indirect_dma source(%dma_start3A_302 : memref<1048576x32xi32, #tpu.memory_space<hbm>>) target(%dma_start3A_294 : memref<80x32xi32, #tpu.memory_space<vmem>>) offsets(%dma_start3A_299 : memref<80xi32, #tpu.memory_space<vmem>>) semaphore(%arg8 : memref<!tpu.dma_semaphore, #tpu.memory_space<semaphore_mem>>)
        %dma_start3A_303 = arith.constant 0 : i32
        %dma_start3A_304 = arith.constant 0 : i32
        %dma_start3A_305 = arith.constant 0 : i32
        %dma_start3A_306 = arith.constant 0 : i32
        %dma_start3A_307 = tpu.memref_slice %arg6[%dma_start3A_304, %dma_start3A_305, %dma_start3A_306] : memref<2x800x32xi32, #tpu.memory_space<vmem>> -> memref<1x800x32xi32, #tpu.memory_space<vmem>>
        %dma_start3A_308 = tpu.memref_squeeze %dma_start3A_307 : memref<1x800x32xi32, #tpu.memory_space<vmem>> -> memref<800x32xi32, #tpu.memory_space<vmem>>
        %dma_start3A_309 = arith.constant 160 : i32
        %dma_start3A_310 = arith.constant 0 : i32
        %dma_start3A_311 = tpu.memref_slice %dma_start3A_308[%dma_start3A_309, %dma_start3A_310] : memref<800x32xi32, #tpu.memory_space<vmem>> -> memref<80x32xi32, #tpu.memory_space<vmem>>
        %dma_start3A_312 = arith.constant 0 : i32
        %dma_start3A_313 = tpu.memref_slice %arg5[%dma_start3A_303, %dma_start3A_312] : memref<2x800xi32, #tpu.memory_space<vmem>> -> memref<1x800xi32, #tpu.memory_space<vmem>>
        %dma_start3A_314 = tpu.memref_squeeze %dma_start3A_313 : memref<1x800xi32, #tpu.memory_space<vmem>> -> memref<800xi32, #tpu.memory_space<vmem>>
        %dma_start3A_315 = arith.constant 160 : i32
        %dma_start3A_316 = tpu.memref_slice %dma_start3A_314[%dma_start3A_315] : memref<800xi32, #tpu.memory_space<vmem>> -> memref<80xi32, #tpu.memory_space<vmem>>
        %dma_start3A_317 = arith.constant 0 : i32
        %dma_start3A_318 = arith.constant 0 : i32
        %dma_start3A_319 = tpu.memref_slice %arg2[%dma_start3A_317, %dma_start3A_318] : memref<1048576x32xi32, #tpu.memory_space<hbm>> -> memref<1048576x32xi32, #tpu.memory_space<hbm>>
        tpu.enqueue_indirect_dma source(%dma_start3A_319 : memref<1048576x32xi32, #tpu.memory_space<hbm>>) target(%dma_start3A_311 : memref<80x32xi32, #tpu.memory_space<vmem>>) offsets(%dma_start3A_316 : memref<80xi32, #tpu.memory_space<vmem>>) semaphore(%arg8 : memref<!tpu.dma_semaphore, #tpu.memory_space<semaphore_mem>>)
        %dma_start3A_320 = arith.constant 0 : i32
        %dma_start3A_321 = arith.constant 0 : i32
        %dma_start3A_322 = arith.constant 0 : i32
        %dma_start3A_323 = arith.constant 0 : i32
        %dma_start3A_324 = tpu.memref_slice %arg6[%dma_start3A_321, %dma_start3A_322, %dma_start3A_323] : memref<2x800x32xi32, #tpu.memory_space<vmem>> -> memref<1x800x32xi32, #tpu.memory_space<vmem>>
        %dma_start3A_325 = tpu.memref_squeeze %dma_start3A_324 : memref<1x800x32xi32, #tpu.memory_space<vmem>> -> memref<800x32xi32, #tpu.memory_space<vmem>>
        %dma_start3A_326 = arith.constant 240 : i32
        %dma_start3A_327 = arith.constant 0 : i32
        %dma_start3A_328 = tpu.memref_slice %dma_start3A_325[%dma_start3A_326, %dma_start3A_327] : memref<800x32xi32, #tpu.memory_space<vmem>> -> memref<80x32xi32, #tpu.memory_space<vmem>>
        %dma_start3A_329 = arith.constant 0 : i32
        %dma_start3A_330 = tpu.memref_slice %arg5[%dma_start3A_320, %dma_start3A_329] : memref<2x800xi32, #tpu.memory_space<vmem>> -> memref<1x800xi32, #tpu.memory_space<vmem>>
        %dma_start3A_331 = tpu.memref_squeeze %dma_start3A_330 : memref<1x800xi32, #tpu.memory_space<vmem>> -> memref<800xi32, #tpu.memory_space<vmem>>
        %dma_start3A_332 = arith.constant 240 : i32
        %dma_start3A_333 = tpu.memref_slice %dma_start3A_331[%dma_start3A_332] : memref<800xi32, #tpu.memory_space<vmem>> -> memref<80xi32, #tpu.memory_space<vmem>>
        %dma_start3A_334 = arith.constant 0 : i32
        %dma_start3A_335 = arith.constant 0 : i32
        %dma_start3A_336 = tpu.memref_slice %arg2[%dma_start3A_334, %dma_start3A_335] : memref<1048576x32xi32, #tpu.memory_space<hbm>> -> memref<1048576x32xi32, #tpu.memory_space<hbm>>
        tpu.enqueue_indirect_dma source(%dma_start3A_336 : memref<1048576x32xi32, #tpu.memory_space<hbm>>) target(%dma_start3A_328 : memref<80x32xi32, #tpu.memory_space<vmem>>) offsets(%dma_start3A_333 : memref<80xi32, #tpu.memory_space<vmem>>) semaphore(%arg8 : memref<!tpu.dma_semaphore, #tpu.memory_space<semaphore_mem>>)
        %dma_start3A_337 = arith.constant 0 : i32
        %dma_start3A_338 = arith.constant 0 : i32
        %dma_start3A_339 = arith.constant 0 : i32
        %dma_start3A_340 = arith.constant 0 : i32
        %dma_start3A_341 = tpu.memref_slice %arg6[%dma_start3A_338, %dma_start3A_339, %dma_start3A_340] : memref<2x800x32xi32, #tpu.memory_space<vmem>> -> memref<1x800x32xi32, #tpu.memory_space<vmem>>
        %dma_start3A_342 = tpu.memref_squeeze %dma_start3A_341 : memref<1x800x32xi32, #tpu.memory_space<vmem>> -> memref<800x32xi32, #tpu.memory_space<vmem>>
        %dma_start3A_343 = arith.constant 320 : i32
        %dma_start3A_344 = arith.constant 0 : i32
        %dma_start3A_345 = tpu.memref_slice %dma_start3A_342[%dma_start3A_343, %dma_start3A_344] : memref<800x32xi32, #tpu.memory_space<vmem>> -> memref<80x32xi32, #tpu.memory_space<vmem>>
        %dma_start3A_346 = arith.constant 0 : i32
        %dma_start3A_347 = tpu.memref_slice %arg5[%dma_start3A_337, %dma_start3A_346] : memref<2x800xi32, #tpu.memory_space<vmem>> -> memref<1x800xi32, #tpu.memory_space<vmem>>
        %dma_start3A_348 = tpu.memref_squeeze %dma_start3A_347 : memref<1x800xi32, #tpu.memory_space<vmem>> -> memref<800xi32, #tpu.memory_space<vmem>>
        %dma_start3A_349 = arith.constant 320 : i32
        %dma_start3A_350 = tpu.memref_slice %dma_start3A_348[%dma_start3A_349] : memref<800xi32, #tpu.memory_space<vmem>> -> memref<80xi32, #tpu.memory_space<vmem>>
        %dma_start3A_351 = arith.constant 0 : i32
        %dma_start3A_352 = arith.constant 0 : i32
        %dma_start3A_353 = tpu.memref_slice %arg2[%dma_start3A_351, %dma_start3A_352] : memref<1048576x32xi32, #tpu.memory_space<hbm>> -> memref<1048576x32xi32, #tpu.memory_space<hbm>>
        tpu.enqueue_indirect_dma source(%dma_start3A_353 : memref<1048576x32xi32, #tpu.memory_space<hbm>>) target(%dma_start3A_345 : memref<80x32xi32, #tpu.memory_space<vmem>>) offsets(%dma_start3A_350 : memref<80xi32, #tpu.memory_space<vmem>>) semaphore(%arg8 : memref<!tpu.dma_semaphore, #tpu.memory_space<semaphore_mem>>)
        %dma_start3A_354 = arith.constant 0 : i32
        %dma_start3A_355 = arith.constant 0 : i32
        %dma_start3A_356 = arith.constant 0 : i32
        %dma_start3A_357 = arith.constant 0 : i32
        %dma_start3A_358 = tpu.memref_slice %arg6[%dma_start3A_355, %dma_start3A_356, %dma_start3A_357] : memref<2x800x32xi32, #tpu.memory_space<vmem>> -> memref<1x800x32xi32, #tpu.memory_space<vmem>>
        %dma_start3A_359 = tpu.memref_squeeze %dma_start3A_358 : memref<1x800x32xi32, #tpu.memory_space<vmem>> -> memref<800x32xi32, #tpu.memory_space<vmem>>
        %dma_start3A_360 = arith.constant 400 : i32
        %dma_start3A_361 = arith.constant 0 : i32
        %dma_start3A_362 = tpu.memref_slice %dma_start3A_359[%dma_start3A_360, %dma_start3A_361] : memref<800x32xi32, #tpu.memory_space<vmem>> -> memref<80x32xi32, #tpu.memory_space<vmem>>
        %dma_start3A_363 = arith.constant 0 : i32
        %dma_start3A_364 = tpu.memref_slice %arg5[%dma_start3A_354, %dma_start3A_363] : memref<2x800xi32, #tpu.memory_space<vmem>> -> memref<1x800xi32, #tpu.memory_space<vmem>>
        %dma_start3A_365 = tpu.memref_squeeze %dma_start3A_364 : memref<1x800xi32, #tpu.memory_space<vmem>> -> memref<800xi32, #tpu.memory_space<vmem>>
        %dma_start3A_366 = arith.constant 400 : i32
        %dma_start3A_367 = tpu.memref_slice %dma_start3A_365[%dma_start3A_366] : memref<800xi32, #tpu.memory_space<vmem>> -> memref<80xi32, #tpu.memory_space<vmem>>
        %dma_start3A_368 = arith.constant 0 : i32
        %dma_start3A_369 = arith.constant 0 : i32
        %dma_start3A_370 = tpu.memref_slice %arg2[%dma_start3A_368, %dma_start3A_369] : memref<1048576x32xi32, #tpu.memory_space<hbm>> -> memref<1048576x32xi32, #tpu.memory_space<hbm>>
        tpu.enqueue_indirect_dma source(%dma_start3A_370 : memref<1048576x32xi32, #tpu.memory_space<hbm>>) target(%dma_start3A_362 : memref<80x32xi32, #tpu.memory_space<vmem>>) offsets(%dma_start3A_367 : memref<80xi32, #tpu.memory_space<vmem>>) semaphore(%arg8 : memref<!tpu.dma_semaphore, #tpu.memory_space<semaphore_mem>>)
        %dma_start3A_371 = arith.constant 0 : i32
        %dma_start3A_372 = arith.constant 0 : i32
        %dma_start3A_373 = arith.constant 0 : i32
        %dma_start3A_374 = arith.constant 0 : i32
        %dma_start3A_375 = tpu.memref_slice %arg6[%dma_start3A_372, %dma_start3A_373, %dma_start3A_374] : memref<2x800x32xi32, #tpu.memory_space<vmem>> -> memref<1x800x32xi32, #tpu.memory_space<vmem>>
        %dma_start3A_376 = tpu.memref_squeeze %dma_start3A_375 : memref<1x800x32xi32, #tpu.memory_space<vmem>> -> memref<800x32xi32, #tpu.memory_space<vmem>>
        %dma_start3A_377 = arith.constant 480 : i32
        %dma_start3A_378 = arith.constant 0 : i32
        %dma_start3A_379 = tpu.memref_slice %dma_start3A_376[%dma_start3A_377, %dma_start3A_378] : memref<800x32xi32, #tpu.memory_space<vmem>> -> memref<80x32xi32, #tpu.memory_space<vmem>>
        %dma_start3A_380 = arith.constant 0 : i32
        %dma_start3A_381 = tpu.memref_slice %arg5[%dma_start3A_371, %dma_start3A_380] : memref<2x800xi32, #tpu.memory_space<vmem>> -> memref<1x800xi32, #tpu.memory_space<vmem>>
        %dma_start3A_382 = tpu.memref_squeeze %dma_start3A_381 : memref<1x800xi32, #tpu.memory_space<vmem>> -> memref<800xi32, #tpu.memory_space<vmem>>
        %dma_start3A_383 = arith.constant 480 : i32
        %dma_start3A_384 = tpu.memref_slice %dma_start3A_382[%dma_start3A_383] : memref<800xi32, #tpu.memory_space<vmem>> -> memref<80xi32, #tpu.memory_space<vmem>>
        %dma_start3A_385 = arith.constant 0 : i32
        %dma_start3A_386 = arith.constant 0 : i32
        %dma_start3A_387 = tpu.memref_slice %arg2[%dma_start3A_385, %dma_start3A_386] : memref<1048576x32xi32, #tpu.memory_space<hbm>> -> memref<1048576x32xi32, #tpu.memory_space<hbm>>
        tpu.enqueue_indirect_dma source(%dma_start3A_387 : memref<1048576x32xi32, #tpu.memory_space<hbm>>) target(%dma_start3A_379 : memref<80x32xi32, #tpu.memory_space<vmem>>) offsets(%dma_start3A_384 : memref<80xi32, #tpu.memory_space<vmem>>) semaphore(%arg8 : memref<!tpu.dma_semaphore, #tpu.memory_space<semaphore_mem>>)
        %dma_start3A_388 = arith.constant 0 : i32
        %dma_start3A_389 = arith.constant 0 : i32
        %dma_start3A_390 = arith.constant 0 : i32
        %dma_start3A_391 = arith.constant 0 : i32
        %dma_start3A_392 = tpu.memref_slice %arg6[%dma_start3A_389, %dma_start3A_390, %dma_start3A_391] : memref<2x800x32xi32, #tpu.memory_space<vmem>> -> memref<1x800x32xi32, #tpu.memory_space<vmem>>
        %dma_start3A_393 = tpu.memref_squeeze %dma_start3A_392 : memref<1x800x32xi32, #tpu.memory_space<vmem>> -> memref<800x32xi32, #tpu.memory_space<vmem>>
        %dma_start3A_394 = arith.constant 560 : i32
        %dma_start3A_395 = arith.constant 0 : i32
        %dma_start3A_396 = tpu.memref_slice %dma_start3A_393[%dma_start3A_394, %dma_start3A_395] : memref<800x32xi32, #tpu.memory_space<vmem>> -> memref<80x32xi32, #tpu.memory_space<vmem>>
        %dma_start3A_397 = arith.constant 0 : i32
        %dma_start3A_398 = tpu.memref_slice %arg5[%dma_start3A_388, %dma_start3A_397] : memref<2x800xi32, #tpu.memory_space<vmem>> -> memref<1x800xi32, #tpu.memory_space<vmem>>
        %dma_start3A_399 = tpu.memref_squeeze %dma_start3A_398 : memref<1x800xi32, #tpu.memory_space<vmem>> -> memref<800xi32, #tpu.memory_space<vmem>>
        %dma_start3A_400 = arith.constant 560 : i32
        %dma_start3A_401 = tpu.memref_slice %dma_start3A_399[%dma_start3A_400] : memref<800xi32, #tpu.memory_space<vmem>> -> memref<80xi32, #tpu.memory_space<vmem>>
        %dma_start3A_402 = arith.constant 0 : i32
        %dma_start3A_403 = arith.constant 0 : i32
        %dma_start3A_404 = tpu.memref_slice %arg2[%dma_start3A_402, %dma_start3A_403] : memref<1048576x32xi32, #tpu.memory_space<hbm>> -> memref<1048576x32xi32, #tpu.memory_space<hbm>>
        tpu.enqueue_indirect_dma source(%dma_start3A_404 : memref<1048576x32xi32, #tpu.memory_space<hbm>>) target(%dma_start3A_396 : memref<80x32xi32, #tpu.memory_space<vmem>>) offsets(%dma_start3A_401 : memref<80xi32, #tpu.memory_space<vmem>>) semaphore(%arg8 : memref<!tpu.dma_semaphore, #tpu.memory_space<semaphore_mem>>)
        %dma_start3A_405 = arith.constant 0 : i32
        %dma_start3A_406 = arith.constant 0 : i32
        %dma_start3A_407 = arith.constant 0 : i32
        %dma_start3A_408 = arith.constant 0 : i32
        %dma_start3A_409 = tpu.memref_slice %arg6[%dma_start3A_406, %dma_start3A_407, %dma_start3A_408] : memref<2x800x32xi32, #tpu.memory_space<vmem>> -> memref<1x800x32xi32, #tpu.memory_space<vmem>>
        %dma_start3A_410 = tpu.memref_squeeze %dma_start3A_409 : memref<1x800x32xi32, #tpu.memory_space<vmem>> -> memref<800x32xi32, #tpu.memory_space<vmem>>
        %dma_start3A_411 = arith.constant 640 : i32
        %dma_start3A_412 = arith.constant 0 : i32
        %dma_start3A_413 = tpu.memref_slice %dma_start3A_410[%dma_start3A_411, %dma_start3A_412] : memref<800x32xi32, #tpu.memory_space<vmem>> -> memref<80x32xi32, #tpu.memory_space<vmem>>
        %dma_start3A_414 = arith.constant 0 : i32
        %dma_start3A_415 = tpu.memref_slice %arg5[%dma_start3A_405, %dma_start3A_414] : memref<2x800xi32, #tpu.memory_space<vmem>> -> memref<1x800xi32, #tpu.memory_space<vmem>>
        %dma_start3A_416 = tpu.memref_squeeze %dma_start3A_415 : memref<1x800xi32, #tpu.memory_space<vmem>> -> memref<800xi32, #tpu.memory_space<vmem>>
        %dma_start3A_417 = arith.constant 640 : i32
        %dma_start3A_418 = tpu.memref_slice %dma_start3A_416[%dma_start3A_417] : memref<800xi32, #tpu.memory_space<vmem>> -> memref<80xi32, #tpu.memory_space<vmem>>
        %dma_start3A_419 = arith.constant 0 : i32
        %dma_start3A_420 = arith.constant 0 : i32
        %dma_start3A_421 = tpu.memref_slice %arg2[%dma_start3A_419, %dma_start3A_420] : memref<1048576x32xi32, #tpu.memory_space<hbm>> -> memref<1048576x32xi32, #tpu.memory_space<hbm>>
        tpu.enqueue_indirect_dma source(%dma_start3A_421 : memref<1048576x32xi32, #tpu.memory_space<hbm>>) target(%dma_start3A_413 : memref<80x32xi32, #tpu.memory_space<vmem>>) offsets(%dma_start3A_418 : memref<80xi32, #tpu.memory_space<vmem>>) semaphore(%arg8 : memref<!tpu.dma_semaphore, #tpu.memory_space<semaphore_mem>>)
        %dma_start3A_422 = arith.constant 0 : i32
        %dma_start3A_423 = arith.constant 0 : i32
        %dma_start3A_424 = arith.constant 0 : i32
        %dma_start3A_425 = arith.constant 0 : i32
        %dma_start3A_426 = tpu.memref_slice %arg6[%dma_start3A_423, %dma_start3A_424, %dma_start3A_425] : memref<2x800x32xi32, #tpu.memory_space<vmem>> -> memref<1x800x32xi32, #tpu.memory_space<vmem>>
        %dma_start3A_427 = tpu.memref_squeeze %dma_start3A_426 : memref<1x800x32xi32, #tpu.memory_space<vmem>> -> memref<800x32xi32, #tpu.memory_space<vmem>>
        %dma_start3A_428 = arith.constant 720 : i32
        %dma_start3A_429 = arith.constant 0 : i32
        %dma_start3A_430 = tpu.memref_slice %dma_start3A_427[%dma_start3A_428, %dma_start3A_429] : memref<800x32xi32, #tpu.memory_space<vmem>> -> memref<80x32xi32, #tpu.memory_space<vmem>>
        %dma_start3A_431 = arith.constant 0 : i32
        %dma_start3A_432 = tpu.memref_slice %arg5[%dma_start3A_422, %dma_start3A_431] : memref<2x800xi32, #tpu.memory_space<vmem>> -> memref<1x800xi32, #tpu.memory_space<vmem>>
        %dma_start3A_433 = tpu.memref_squeeze %dma_start3A_432 : memref<1x800xi32, #tpu.memory_space<vmem>> -> memref<800xi32, #tpu.memory_space<vmem>>
        %dma_start3A_434 = arith.constant 720 : i32
        %dma_start3A_435 = tpu.memref_slice %dma_start3A_433[%dma_start3A_434] : memref<800xi32, #tpu.memory_space<vmem>> -> memref<80xi32, #tpu.memory_space<vmem>>
        %dma_start3A_436 = arith.constant 0 : i32
        %dma_start3A_437 = arith.constant 0 : i32
        %dma_start3A_438 = tpu.memref_slice %arg2[%dma_start3A_436, %dma_start3A_437] : memref<1048576x32xi32, #tpu.memory_space<hbm>> -> memref<1048576x32xi32, #tpu.memory_space<hbm>>
        tpu.enqueue_indirect_dma source(%dma_start3A_438 : memref<1048576x32xi32, #tpu.memory_space<hbm>>) target(%dma_start3A_430 : memref<80x32xi32, #tpu.memory_space<vmem>>) offsets(%dma_start3A_435 : memref<80xi32, #tpu.memory_space<vmem>>) semaphore(%arg8 : memref<!tpu.dma_semaphore, #tpu.memory_space<semaphore_mem>>)
      } else {
      }
      %dma_wait3A_229 = arith.constant 1 : i32
      %dma_wait3A_230 = arith.constant 0 : i32
      %dma_wait3A_231 = arith.constant 0 : i32
      %dma_wait3A_232 = tpu.memref_slice %arg6[%dma_wait3A_229, %dma_wait3A_230, %dma_wait3A_231] : memref<2x800x32xi32, #tpu.memory_space<vmem>> -> memref<1x800x32xi32, #tpu.memory_space<vmem>>
      %dma_wait3A_233 = tpu.memref_squeeze %dma_wait3A_232 : memref<1x800x32xi32, #tpu.memory_space<vmem>> -> memref<800x32xi32, #tpu.memory_space<vmem>>
      %dma_wait3A_234 = arith.constant 0 : i32
      %dma_wait3A_235 = arith.constant 0 : i32
      %dma_wait3A_236 = tpu.memref_slice %arg2[%dma_wait3A_234, %dma_wait3A_235] : memref<1048576x32xi32, #tpu.memory_space<hbm>> -> memref<800x32xi32, #tpu.memory_space<hbm>>
      %dma_wait3A_237 = arith.constant 0 : i32
      %dma_wait3A_238 = arith.constant 0 : i32
      %dma_wait3A_239 = tpu.memref_slice %arg6[%dma_wait3A_229, %dma_wait3A_237, %dma_wait3A_238] : memref<2x800x32xi32, #tpu.memory_space<vmem>> -> memref<1x800x32xi32, #tpu.memory_space<vmem>>
      %dma_wait3A_240 = tpu.memref_squeeze %dma_wait3A_239 : memref<1x800x32xi32, #tpu.memory_space<vmem>> -> memref<800x32xi32, #tpu.memory_space<vmem>>
      %dma_wait3A_241 = arith.constant 0 : i32
      %dma_wait3A_242 = arith.constant 0 : i32
      %dma_wait3A_243 = tpu.memref_slice %arg2[%dma_wait3A_241, %dma_wait3A_242] : memref<1048576x32xi32, #tpu.memory_space<hbm>> -> memref<800x32xi32, #tpu.memory_space<hbm>>
      tpu.wait_dma2 semaphore(%arg9 : memref<!tpu.dma_semaphore, #tpu.memory_space<semaphore_mem>>) src(%dma_wait3A_243 : memref<800x32xi32, #tpu.memory_space<hbm>>) dst(%dma_wait3A_240 : memref<800x32xi32, #tpu.memory_space<vmem>>)
      %scan3A_244 = arith.constant 0 : i32
      %scan3A_245 = arith.constant 16 : i32
      %scan3A_246 = arith.addi %scan3A_244, %scan3A_245 : i32
      %scan3A_247 = arith.constant 1 : i32
      scf.for %scan3A_254 = %scan3A_244 to %scan3A_246 step %scan3A_247  : i32 {
        %mul3A_255 = arith.constant 1 : i32
        %mul3A_256 = arith.muli %scan3A_254, %mul3A_255 : i32
        %add3A_257 = arith.constant 0 : i32
        %add3A_258 = arith.addi %add3A_257, %mul3A_256 : i32
        %mul3A_259 = arith.constant 50 : i32
        %mul3A_260 = arith.muli %add3A_258, %mul3A_259 : i32
        %broadcast_in_dim3A = arith.constant 0.000000e+00 : f32
        %broadcast_in_dim3A_261 = vector.broadcast %broadcast_in_dim3A : f32 to vector<16xf32>
        %broadcast_in_dim3A_262 = arith.constant 0.000000e+00 : f32
        %broadcast_in_dim3A_263 = vector.broadcast %broadcast_in_dim3A_262 : f32 to vector<16xf32>
        %broadcast_in_dim3A_264 = arith.constant 0.000000e+00 : f32
        %broadcast_in_dim3A_265 = vector.broadcast %broadcast_in_dim3A_264 : f32 to vector<16xf32>
        %broadcast_in_dim3A_266 = arith.constant 0.000000e+00 : f32
        %broadcast_in_dim3A_267 = vector.broadcast %broadcast_in_dim3A_266 : f32 to vector<16xf32>
        %scan3A_268 = arith.constant 0 : i32
        %scan3A_269 = arith.constant 10 : i32
        %scan3A_270 = arith.addi %scan3A_268, %scan3A_269 : i32
        %scan3A_271 = arith.constant 1 : i32
        %scan3A_272:4 = scf.for %scan3A_285 = %scan3A_268 to %scan3A_270 step %scan3A_271 iter_args(%scan3A_286 = %broadcast_in_dim3A_261, %scan3A_287 = %broadcast_in_dim3A_263, %scan3A_288 = %broadcast_in_dim3A_265, %scan3A_289 = %broadcast_in_dim3A_267) -> (vector<16xf32>, vector<16xf32>, vector<16xf32>, vector<16xf32>)  : i32 {
          %mul3A_290 = arith.constant 5 : i32
          %mul3A_291 = arith.muli %scan3A_285, %mul3A_290 : i32
          %add3A_292 = arith.addi %mul3A_260, %mul3A_291 : i32
          %add3A_293 = arith.constant 0 : i32
          %add3A_294 = arith.addi %add3A_292, %add3A_293 : i32
          %get3A = arith.constant 1 : i32
          %get3A_295 = arith.index_cast %get3A : i32 to index
          %get3A_296 = arith.index_cast %add3A_294 : i32 to index
          %get3A_297 = arith.constant 0 : index
          %get3A_298 = tpu.vector_load %arg6[%get3A_295, %get3A_296, %get3A_297] {strides = array<i32>} : memref<2x800x32xi32, #tpu.memory_space<vmem>>, vector<16xi32>,
          %bitcast3A = vector.bitcast %get3A_298 : vector<16xi32> to vector<32xbf16>
          %unpack3A = tpu.unpack_subelements %bitcast3A, 0 {pack_format = #tpu.pack_format<interleaved>} : vector<32xbf16> -> vector<16xf32>
          %unpack3A_299 = tpu.unpack_subelements %bitcast3A, 1 {pack_format = #tpu.pack_format<interleaved>} : vector<32xbf16> -> vector<16xf32>
          %add3A_300 = arith.addf %scan3A_286, %unpack3A : vector<16xf32>
          %add3A_301 = arith.addf %scan3A_287, %unpack3A_299 : vector<16xf32>
          %add3A_302 = arith.constant 0 : i32
          %add3A_303 = arith.addi %add3A_292, %add3A_302 : i32
          %get3A_304 = arith.constant 1 : i32
          %get3A_305 = arith.index_cast %get3A_304 : i32 to index
          %get3A_306 = arith.index_cast %add3A_303 : i32 to index
          %get3A_307 = arith.constant 16 : index
          %get3A_308 = tpu.vector_load %arg6[%get3A_305, %get3A_306, %get3A_307] {strides = array<i32>} : memref<2x800x32xi32, #tpu.memory_space<vmem>>, vector<16xi32>,
          %bitcast3A_309 = vector.bitcast %get3A_308 : vector<16xi32> to vector<32xbf16>
          %unpack3A_310 = tpu.unpack_subelements %bitcast3A_309, 0 {pack_format = #tpu.pack_format<interleaved>} : vector<32xbf16> -> vector<16xf32>
          %unpack3A_311 = tpu.unpack_subelements %bitcast3A_309, 1 {pack_format = #tpu.pack_format<interleaved>} : vector<32xbf16> -> vector<16xf32>
          %add3A_312 = arith.addf %scan3A_288, %unpack3A_310 : vector<16xf32>
          %add3A_313 = arith.addf %scan3A_289, %unpack3A_311 : vector<16xf32>
          %add3A_314 = arith.constant 1 : i32
          %add3A_315 = arith.addi %add3A_292, %add3A_314 : i32
          %get3A_316 = arith.constant 1 : i32
          %get3A_317 = arith.index_cast %get3A_316 : i32 to index
          %get3A_318 = arith.index_cast %add3A_315 : i32 to index
          %get3A_319 = arith.constant 0 : index
          %get3A_320 = tpu.vector_load %arg6[%get3A_317, %get3A_318, %get3A_319] {strides = array<i32>} : memref<2x800x32xi32, #tpu.memory_space<vmem>>, vector<16xi32>,
          %bitcast3A_321 = vector.bitcast %get3A_320 : vector<16xi32> to vector<32xbf16>
          %unpack3A_322 = tpu.unpack_subelements %bitcast3A_321, 0 {pack_format = #tpu.pack_format<interleaved>} : vector<32xbf16> -> vector<16xf32>
          %unpack3A_323 = tpu.unpack_subelements %bitcast3A_321, 1 {pack_format = #tpu.pack_format<interleaved>} : vector<32xbf16> -> vector<16xf32>
          %add3A_324 = arith.addf %add3A_300, %unpack3A_322 : vector<16xf32>
          %add3A_325 = arith.addf %add3A_301, %unpack3A_323 : vector<16xf32>
          %add3A_326 = arith.constant 1 : i32
          %add3A_327 = arith.addi %add3A_292, %add3A_326 : i32
          %get3A_328 = arith.constant 1 : i32
          %get3A_329 = arith.index_cast %get3A_328 : i32 to index
          %get3A_330 = arith.index_cast %add3A_327 : i32 to index
          %get3A_331 = arith.constant 16 : index
          %get3A_332 = tpu.vector_load %arg6[%get3A_329, %get3A_330, %get3A_331] {strides = array<i32>} : memref<2x800x32xi32, #tpu.memory_space<vmem>>, vector<16xi32>,
          %bitcast3A_333 = vector.bitcast %get3A_332 : vector<16xi32> to vector<32xbf16>
          %unpack3A_334 = tpu.unpack_subelements %bitcast3A_333, 0 {pack_format = #tpu.pack_format<interleaved>} : vector<32xbf16> -> vector<16xf32>
          %unpack3A_335 = tpu.unpack_subelements %bitcast3A_333, 1 {pack_format = #tpu.pack_format<interleaved>} : vector<32xbf16> -> vector<16xf32>
          %add3A_336 = arith.addf %add3A_312, %unpack3A_334 : vector<16xf32>
          %add3A_337 = arith.addf %add3A_313, %unpack3A_335 : vector<16xf32>
          %add3A_338 = arith.constant 2 : i32
          %add3A_339 = arith.addi %add3A_292, %add3A_338 : i32
          %get3A_340 = arith.constant 1 : i32
          %get3A_341 = arith.index_cast %get3A_340 : i32 to index
          %get3A_342 = arith.index_cast %add3A_339 : i32 to index
          %get3A_343 = arith.constant 0 : index
          %get3A_344 = tpu.vector_load %arg6[%get3A_341, %get3A_342, %get3A_343] {strides = array<i32>} : memref<2x800x32xi32, #tpu.memory_space<vmem>>, vector<16xi32>,
          %bitcast3A_345 = vector.bitcast %get3A_344 : vector<16xi32> to vector<32xbf16>
          %unpack3A_346 = tpu.unpack_subelements %bitcast3A_345, 0 {pack_format = #tpu.pack_format<interleaved>} : vector<32xbf16> -> vector<16xf32>
          %unpack3A_347 = tpu.unpack_subelements %bitcast3A_345, 1 {pack_format = #tpu.pack_format<interleaved>} : vector<32xbf16> -> vector<16xf32>
          %add3A_348 = arith.addf %add3A_324, %unpack3A_346 : vector<16xf32>
          %add3A_349 = arith.addf %add3A_325, %unpack3A_347 : vector<16xf32>
          %add3A_350 = arith.constant 2 : i32
          %add3A_351 = arith.addi %add3A_292, %add3A_350 : i32
          %get3A_352 = arith.constant 1 : i32
          %get3A_353 = arith.index_cast %get3A_352 : i32 to index
          %get3A_354 = arith.index_cast %add3A_351 : i32 to index
          %get3A_355 = arith.constant 16 : index
          %get3A_356 = tpu.vector_load %arg6[%get3A_353, %get3A_354, %get3A_355] {strides = array<i32>} : memref<2x800x32xi32, #tpu.memory_space<vmem>>, vector<16xi32>,
          %bitcast3A_357 = vector.bitcast %get3A_356 : vector<16xi32> to vector<32xbf16>
          %unpack3A_358 = tpu.unpack_subelements %bitcast3A_357, 0 {pack_format = #tpu.pack_format<interleaved>} : vector<32xbf16> -> vector<16xf32>
          %unpack3A_359 = tpu.unpack_subelements %bitcast3A_357, 1 {pack_format = #tpu.pack_format<interleaved>} : vector<32xbf16> -> vector<16xf32>
          %add3A_360 = arith.addf %add3A_336, %unpack3A_358 : vector<16xf32>
          %add3A_361 = arith.addf %add3A_337, %unpack3A_359 : vector<16xf32>
          %add3A_362 = arith.constant 3 : i32
          %add3A_363 = arith.addi %add3A_292, %add3A_362 : i32
          %get3A_364 = arith.constant 1 : i32
          %get3A_365 = arith.index_cast %get3A_364 : i32 to index
          %get3A_366 = arith.index_cast %add3A_363 : i32 to index
          %get3A_367 = arith.constant 0 : index
          %get3A_368 = tpu.vector_load %arg6[%get3A_365, %get3A_366, %get3A_367] {strides = array<i32>} : memref<2x800x32xi32, #tpu.memory_space<vmem>>, vector<16xi32>,
          %bitcast3A_369 = vector.bitcast %get3A_368 : vector<16xi32> to vector<32xbf16>
          %unpack3A_370 = tpu.unpack_subelements %bitcast3A_369, 0 {pack_format = #tpu.pack_format<interleaved>} : vector<32xbf16> -> vector<16xf32>
          %unpack3A_371 = tpu.unpack_subelements %bitcast3A_369, 1 {pack_format = #tpu.pack_format<interleaved>} : vector<32xbf16> -> vector<16xf32>
          %add3A_372 = arith.addf %add3A_348, %unpack3A_370 : vector<16xf32>
          %add3A_373 = arith.addf %add3A_349, %unpack3A_371 : vector<16xf32>
          %add3A_374 = arith.constant 3 : i32
          %add3A_375 = arith.addi %add3A_292, %add3A_374 : i32
          %get3A_376 = arith.constant 1 : i32
          %get3A_377 = arith.index_cast %get3A_376 : i32 to index
          %get3A_378 = arith.index_cast %add3A_375 : i32 to index
          %get3A_379 = arith.constant 16 : index
          %get3A_380 = tpu.vector_load %arg6[%get3A_377, %get3A_378, %get3A_379] {strides = array<i32>} : memref<2x800x32xi32, #tpu.memory_space<vmem>>, vector<16xi32>,
          %bitcast3A_381 = vector.bitcast %get3A_380 : vector<16xi32> to vector<32xbf16>
          %unpack3A_382 = tpu.unpack_subelements %bitcast3A_381, 0 {pack_format = #tpu.pack_format<interleaved>} : vector<32xbf16> -> vector<16xf32>
          %unpack3A_383 = tpu.unpack_subelements %bitcast3A_381, 1 {pack_format = #tpu.pack_format<interleaved>} : vector<32xbf16> -> vector<16xf32>
          %add3A_384 = arith.addf %add3A_360, %unpack3A_382 : vector<16xf32>
          %add3A_385 = arith.addf %add3A_361, %unpack3A_383 : vector<16xf32>
          %add3A_386 = arith.constant 4 : i32
          %add3A_387 = arith.addi %add3A_292, %add3A_386 : i32
          %get3A_388 = arith.constant 1 : i32
          %get3A_389 = arith.index_cast %get3A_388 : i32 to index
          %get3A_390 = arith.index_cast %add3A_387 : i32 to index
          %get3A_391 = arith.constant 0 : index
          %get3A_392 = tpu.vector_load %arg6[%get3A_389, %get3A_390, %get3A_391] {strides = array<i32>} : memref<2x800x32xi32, #tpu.memory_space<vmem>>, vector<16xi32>,
          %bitcast3A_393 = vector.bitcast %get3A_392 : vector<16xi32> to vector<32xbf16>
          %unpack3A_394 = tpu.unpack_subelements %bitcast3A_393, 0 {pack_format = #tpu.pack_format<interleaved>} : vector<32xbf16> -> vector<16xf32>
          %unpack3A_395 = tpu.unpack_subelements %bitcast3A_393, 1 {pack_format = #tpu.pack_format<interleaved>} : vector<32xbf16> -> vector<16xf32>
          %add3A_396 = arith.addf %add3A_372, %unpack3A_394 : vector<16xf32>
          %add3A_397 = arith.addf %add3A_373, %unpack3A_395 : vector<16xf32>
          %add3A_398 = arith.constant 4 : i32
          %add3A_399 = arith.addi %add3A_292, %add3A_398 : i32
          %get3A_400 = arith.constant 1 : i32
          %get3A_401 = arith.index_cast %get3A_400 : i32 to index
          %get3A_402 = arith.index_cast %add3A_399 : i32 to index
          %get3A_403 = arith.constant 16 : index
          %get3A_404 = tpu.vector_load %arg6[%get3A_401, %get3A_402, %get3A_403] {strides = array<i32>} : memref<2x800x32xi32, #tpu.memory_space<vmem>>, vector<16xi32>,
          %bitcast3A_405 = vector.bitcast %get3A_404 : vector<16xi32> to vector<32xbf16>
          %unpack3A_406 = tpu.unpack_subelements %bitcast3A_405, 0 {pack_format = #tpu.pack_format<interleaved>} : vector<32xbf16> -> vector<16xf32>
          %unpack3A_407 = tpu.unpack_subelements %bitcast3A_405, 1 {pack_format = #tpu.pack_format<interleaved>} : vector<32xbf16> -> vector<16xf32>
          %add3A_408 = arith.addf %add3A_384, %unpack3A_406 : vector<16xf32>
          %add3A_409 = arith.addf %add3A_385, %unpack3A_407 : vector<16xf32>
          scf.yield %add3A_396, %add3A_397, %add3A_408, %add3A_409 : vector<16xf32>, vector<16xf32>, vector<16xf32>, vector<16xf32>
        }
        %scan3A_273 = arith.constant 10 : i32
        %swap3A = arith.index_cast %add3A_258 : i32 to index
        %swap3A_274 = arith.constant 0 : index
        %swap3A_275 = tpu.vector_load %arg7[%swap3A, %swap3A_274] {strides = array<i32>} : memref<16x64xf32, #tpu.memory_space<vmem>>, vector<16xf32>,
        tpu.vector_store %arg7[%swap3A, %swap3A_274], %scan3A_272#0 {strides = array<i32>} : memref<16x64xf32, #tpu.memory_space<vmem>>, vector<16xf32>,
        %swap3A_276 = arith.index_cast %add3A_258 : i32 to index
        %swap3A_277 = arith.constant 16 : index
        %swap3A_278 = tpu.vector_load %arg7[%swap3A_276, %swap3A_277] {strides = array<i32>} : memref<16x64xf32, #tpu.memory_space<vmem>>, vector<16xf32>,
        tpu.vector_store %arg7[%swap3A_276, %swap3A_277], %scan3A_272#1 {strides = array<i32>} : memref<16x64xf32, #tpu.memory_space<vmem>>, vector<16xf32>,
        %swap3A_279 = arith.index_cast %add3A_258 : i32 to index
        %swap3A_280 = arith.constant 32 : index
        %swap3A_281 = tpu.vector_load %arg7[%swap3A_279, %swap3A_280] {strides = array<i32>} : memref<16x64xf32, #tpu.memory_space<vmem>>, vector<16xf32>,
        tpu.vector_store %arg7[%swap3A_279, %swap3A_280], %scan3A_272#2 {strides = array<i32>} : memref<16x64xf32, #tpu.memory_space<vmem>>, vector<16xf32>,
        %swap3A_282 = arith.index_cast %add3A_258 : i32 to index
        %swap3A_283 = arith.constant 48 : index
        %swap3A_284 = tpu.vector_load %arg7[%swap3A_282, %swap3A_283] {strides = array<i32>} : memref<16x64xf32, #tpu.memory_space<vmem>>, vector<16xf32>,
        tpu.vector_store %arg7[%swap3A_282, %swap3A_283], %scan3A_272#3 {strides = array<i32>} : memref<16x64xf32, #tpu.memory_space<vmem>>, vector<16xf32>,
      }
      %scan3A_248 = arith.constant 16 : i32
      %mul3A_249 = arith.constant 512 : i32
      %mul3A_250 = arith.muli %add3A, %mul3A_249 : i32
      %mul3A_251 = arith.constant 16 : i32
      %mul3A_252 = arith.muli %add3A_221, %mul3A_251 : i32
      %add3A_253 = arith.addi %mul3A_250, %mul3A_252 : i32
      "tpu.region"() ({
        %run_scoped3A_254 = tpu.sem_alloc : memref<!tpu.dma_semaphore, #tpu.memory_space<semaphore_mem>>
        %dma_start3A_255 = arith.constant 0 : i32
        %dma_start3A_256 = tpu.memref_slice %arg4[%add3A_253, %dma_start3A_255] : memref<16384x64xf32, #tpu.memory_space<hbm>> -> memref<16x64xf32, #tpu.memory_space<hbm>>
        %dma_start3A_257 = arith.constant 0 : i32
        %dma_start3A_258 = tpu.memref_slice %arg4[%add3A_253, %dma_start3A_257] : memref<16384x64xf32, #tpu.memory_space<hbm>> -> memref<16x64xf32, #tpu.memory_space<hbm>>
        tpu.enqueue_dma source(%arg7 : memref<16x64xf32, #tpu.memory_space<vmem>>) target(%dma_start3A_258 : memref<16x64xf32, #tpu.memory_space<hbm>>) target_semaphore(%run_scoped3A_254 : memref<!tpu.dma_semaphore, #tpu.memory_space<semaphore_mem>>)
        %dma_wait3A_259 = arith.constant 0 : i32
        %dma_wait3A_260 = tpu.memref_slice %arg4[%add3A_253, %dma_wait3A_259] : memref<16384x64xf32, #tpu.memory_space<hbm>> -> memref<16x64xf32, #tpu.memory_space<hbm>>
        %dma_wait3A_261 = arith.constant 0 : i32
        %dma_wait3A_262 = tpu.memref_slice %arg4[%add3A_253, %dma_wait3A_261] : memref<16384x64xf32, #tpu.memory_space<hbm>> -> memref<16x64xf32, #tpu.memory_space<hbm>>
        tpu.wait_dma2 semaphore(%run_scoped3A_254 : memref<!tpu.dma_semaphore, #tpu.memory_space<semaphore_mem>>) src(%arg7 : memref<16x64xf32, #tpu.memory_space<vmem>>) dst(%dma_wait3A_262 : memref<16x64xf32, #tpu.memory_space<hbm>>)
        tpu.yield
      }) : () -> ()
    }
    %scan3A_184 = arith.constant 16 : i32
    return
  }
}

module attributes {stable_mosaic.version = 14 : i64} {
  func.func @body(%arg0: i32, %arg1: memref<64x16384xf32, #tpu.memory_space<vmem>>, %arg2: memref<64x16384xf32, #tpu.memory_space<vmem>>, %arg3: memref<64x16384xf32, #tpu.memory_space<vmem>>, %arg4: memref<64x16384xf32, #tpu.memory_space<vmem>>, %arg5: memref<256x128xbf16, #tpu.memory_space<vmem>>, %arg6: memref<256x128xbf16, #tpu.memory_space<vmem>>, %arg7: memref<16384x128xi32, #tpu.memory_space<vmem>>) attributes {dimension_semantics = [#tpu.dimension_semantics<arbitrary>], iteration_bounds = array<i64: 16>, scalar_prefetch = 0 : i64, scratch_operands = 0 : i64, tpu.core_type = #tpu.core_type<tc>, window_params = [{transform_indices = @transform_0, window_bounds = array<i64: 64, 16384>}, {transform_indices = @transform_1, window_bounds = array<i64: 64, 16384>}, {transform_indices = @transform_2, window_bounds = array<i64: 64, 16384>}, {transform_indices = @transform_3, window_bounds = array<i64: 64, 16384>}, {pipeline_mode = #tpu.pipeline_mode<synchronous>, transform_indices = @transform_4, window_bounds = array<i64: 256, 128>}, {pipeline_mode = #tpu.pipeline_mode<synchronous>, transform_indices = @transform_5, window_bounds = array<i64: 256, 128>}, {transform_indices = @transform_6, window_bounds = array<i64: 16384, 128>}]} {
    %get3A = arith.constant 0 : index
    %get3A_0 = arith.constant 0 : index
    %get3A_1 = vector.load %arg1[%get3A, %get3A_0] : memref<64x16384xf32, #tpu.memory_space<vmem>>, vector<64x16384xf32>
    %get3A_2 = arith.constant 0 : index
    %get3A_3 = arith.constant 0 : index
    %get3A_4 = vector.load %arg2[%get3A_2, %get3A_3] : memref<64x16384xf32, #tpu.memory_space<vmem>>, vector<64x16384xf32>
    %get3A_5 = arith.constant 0 : index
    %get3A_6 = arith.constant 0 : index
    %get3A_7 = vector.load %arg3[%get3A_5, %get3A_6] : memref<64x16384xf32, #tpu.memory_space<vmem>>, vector<64x16384xf32>
    %get3A_8 = arith.constant 0 : index
    %get3A_9 = arith.constant 0 : index
    %get3A_10 = vector.load %arg4[%get3A_8, %get3A_9] : memref<64x16384xf32, #tpu.memory_space<vmem>>, vector<64x16384xf32>
    %concatenate3A = tpu.concatenate %get3A_1, %get3A_4, %get3A_7, %get3A_10 in 0 : vector<64x16384xf32>, vector<64x16384xf32>, vector<64x16384xf32>, vector<64x16384xf32> -> vector<256x16384xf32>
    %convert_element_type3A = arith.truncf %concatenate3A : vector<256x16384xf32> to vector<256x16384xbf16>
    %get3A_11 = arith.constant 0 : index
    %get3A_12 = arith.constant 0 : index
    %get3A_13 = vector.load %arg5[%get3A_11, %get3A_12] : memref<256x128xbf16, #tpu.memory_space<vmem>>, vector<256x128xbf16>
    %dot_general3A = arith.constant dense<0.000000e+00> : vector<16384x128xf32>
    %dot_general3A_14 = tpu.matmul %convert_element_type3A, %get3A_13, %dot_general3A {dimension_numbers = #tpu.dot_dimension_numbers<[0], [0], [1], [1], [0, 1, 1, 1], [], []>, transpose_lhs_hint = false} : vector<256x16384xbf16>, vector<256x128xbf16>, vector<16384x128xf32> -> vector<16384x128xf32>
    %get3A_15 = arith.constant 0 : index
    %get3A_16 = arith.constant 0 : index
    %get3A_17 = vector.load %arg6[%get3A_15, %get3A_16] : memref<256x128xbf16, #tpu.memory_space<vmem>>, vector<256x128xbf16>
    %dot_general3A_18 = arith.constant dense<0.000000e+00> : vector<16384x128xf32>
    %dot_general3A_19 = tpu.matmul %convert_element_type3A, %get3A_17, %dot_general3A_18 {dimension_numbers = #tpu.dot_dimension_numbers<[0], [0], [1], [1], [0, 1, 1, 1], [], []>, transpose_lhs_hint = false} : vector<256x16384xbf16>, vector<256x128xbf16>, vector<16384x128xf32> -> vector<16384x128xf32>
    %bitcast_convert_type3A = tpu.bitcast %dot_general3A_14 : vector<16384x128xf32> -> vector<16384x128xi32>
    %bitcast_convert_type3A_20 = tpu.bitcast %dot_general3A_19 : vector<16384x128xf32> -> vector<16384x128xi32>
    %shift_right_logical3A = arith.constant 16 : i32
    %shift_right_logical3A_21 = vector.broadcast %shift_right_logical3A : i32 to vector<16384x128xi32>
    %shift_right_logical3A_22 = arith.shrui %bitcast_convert_type3A, %shift_right_logical3A_21 : vector<16384x128xi32>
    %and3A = arith.constant -65536 : i32
    %and3A_23 = vector.broadcast %and3A : i32 to vector<16384x128xi32>
    %and3A_24 = arith.andi %bitcast_convert_type3A_20, %and3A_23 : vector<16384x128xi32>
    %or3A = arith.ori %shift_right_logical3A_22, %and3A_24 : vector<16384x128xi32>
    %bitcast_convert_type3A_25 = tpu.bitcast %or3A : vector<16384x128xi32> -> vector<16384x128xi32>
    %swap3A = arith.constant 0 : index
    %swap3A_26 = arith.constant 0 : index
    %swap3A_27 = vector.load %arg7[%swap3A, %swap3A_26] : memref<16384x128xi32, #tpu.memory_space<vmem>>, vector<16384x128xi32>
    tpu.vector_store %arg7[%swap3A, %swap3A_26], %bitcast_convert_type3A_25 {strides = array<i32>} : memref<16384x128xi32, #tpu.memory_space<vmem>>, vector<16384x128xi32>,
    return
  }
  func.func @transform_0(%arg0: i32) -> (i32, i32) {
    %add3A = arith.constant 0 : i32
    %add3A_0 = arith.addi %add3A, %arg0 : i32
    %min3A = arith.constant 61 : i32
    %min3A_1 = arith.minsi %add3A_0, %min3A : i32
    %c0_i32 = arith.constant 0 : i32
    %c0_i32_2 = arith.constant 0 : i32
    return %c0_i32, %min3A_1 : i32, i32
  }
  func.func @transform_1(%arg0: i32) -> (i32, i32) {
    %add3A = arith.constant 16 : i32
    %add3A_0 = arith.addi %add3A, %arg0 : i32
    %min3A = arith.constant 61 : i32
    %min3A_1 = arith.minsi %add3A_0, %min3A : i32
    %c0_i32 = arith.constant 0 : i32
    %c0_i32_2 = arith.constant 0 : i32
    return %c0_i32, %min3A_1 : i32, i32
  }
  func.func @transform_2(%arg0: i32) -> (i32, i32) {
    %add3A = arith.constant 32 : i32
    %add3A_0 = arith.addi %add3A, %arg0 : i32
    %min3A = arith.constant 61 : i32
    %min3A_1 = arith.minsi %add3A_0, %min3A : i32
    %c0_i32 = arith.constant 0 : i32
    %c0_i32_2 = arith.constant 0 : i32
    return %c0_i32, %min3A_1 : i32, i32
  }
  func.func @transform_3(%arg0: i32) -> (i32, i32) {
    %add3A = arith.constant 48 : i32
    %add3A_0 = arith.addi %add3A, %arg0 : i32
    %min3A = arith.constant 61 : i32
    %min3A_1 = arith.minsi %add3A_0, %min3A : i32
    %c0_i32 = arith.constant 0 : i32
    %c0_i32_2 = arith.constant 0 : i32
    return %c0_i32, %min3A_1 : i32, i32
  }
  func.func @transform_4(%arg0: i32) -> (i32, i32) {
    %c0_i32 = arith.constant 0 : i32
    %c0_i32_0 = arith.constant 0 : i32
    %c0_i32_1 = arith.constant 0 : i32
    return %c0_i32, %c0_i32_0 : i32, i32
  }
  func.func @transform_5(%arg0: i32) -> (i32, i32) {
    %c0_i32 = arith.constant 0 : i32
    %c0_i32_0 = arith.constant 0 : i32
    %c0_i32_1 = arith.constant 0 : i32
    return %c0_i32, %c0_i32_0 : i32, i32
  }
  func.func @transform_6(%arg0: i32) -> (i32, i32) {
    %c0_i32 = arith.constant 0 : i32
    %c0_i32_0 = arith.constant 0 : i32
    return %arg0, %c0_i32 : i32, i32
  }
}

module attributes {stable_mosaic.version = 14 : i64} {
  func.func @body(%arg0: i32, %arg1: memref<2048x64xf32, #tpu.memory_space<vmem>>, %arg2: memref<64x128xf32, #tpu.memory_space<vmem>>, %arg3: memref<1x128xf32, #tpu.memory_space<vmem>>, %arg4: memref<2048x128xf32, #tpu.memory_space<vmem>>) attributes {dimension_semantics = [#tpu.dimension_semantics<arbitrary>], iteration_bounds = array<i64: 8>, scalar_prefetch = 0 : i64, scratch_operands = 0 : i64, tpu.core_type = #tpu.core_type<tc>, window_params = [{transform_indices = @transform_0, window_bounds = array<i64: 2048, 64>}, {pipeline_mode = #tpu.pipeline_mode<synchronous>, transform_indices = @transform_1, window_bounds = array<i64: 64, 128>}, {pipeline_mode = #tpu.pipeline_mode<synchronous>, transform_indices = @transform_2, window_bounds = array<i64: 1, 128>}, {transform_indices = @transform_3, window_bounds = array<i64: 2048, 128>}]} {
    %get3A = arith.constant 0 : index
    %get3A_0 = arith.constant 0 : index
    %get3A_1 = vector.load %arg1[%get3A, %get3A_0] : memref<2048x64xf32, #tpu.memory_space<vmem>>, vector<2048x64xf32>
    %get3A_2 = arith.constant 0 : index
    %get3A_3 = arith.constant 0 : index
    %get3A_4 = vector.load %arg2[%get3A_2, %get3A_3] : memref<64x128xf32, #tpu.memory_space<vmem>>, vector<64x128xf32>
    %dot_general3A = arith.constant dense<0.000000e+00> : vector<2048x128xf32>
    %dot_general3A_5 = tpu.matmul %get3A_1, %get3A_4, %dot_general3A {dimension_numbers = #tpu.dot_dimension_numbers<[1], [0], [0], [1], [0, 0, 1, 1], [], []>, transpose_lhs_hint = false} : vector<2048x64xf32>, vector<64x128xf32>, vector<2048x128xf32> -> vector<2048x128xf32>
    %mul3A = arith.constant 2.000000e-02 : f32
    %mul3A_6 = vector.broadcast %mul3A : f32 to vector<2048x128xf32>
    %mul3A_7 = arith.mulf %dot_general3A_5, %mul3A_6 : vector<2048x128xf32>
    %get3A_8 = arith.constant 0 : index
    %get3A_9 = arith.constant 0 : index
    %get3A_10 = vector.load %arg3[%get3A_8, %get3A_9] : memref<1x128xf32, #tpu.memory_space<vmem>>, vector<1x128xf32>
    %add3A = vector.broadcast %get3A_10 : vector<1x128xf32> to vector<2048x128xf32>
    %add3A_11 = arith.addf %mul3A_7, %add3A : vector<2048x128xf32>
    %swap3A = arith.constant 0 : index
    %swap3A_12 = arith.constant 0 : index
    %swap3A_13 = vector.load %arg4[%swap3A, %swap3A_12] : memref<2048x128xf32, #tpu.memory_space<vmem>>, vector<2048x128xf32>
    tpu.vector_store %arg4[%swap3A, %swap3A_12], %add3A_11 {strides = array<i32>} : memref<2048x128xf32, #tpu.memory_space<vmem>>, vector<2048x128xf32>,
    return
  }
  func.func @transform_0(%arg0: i32) -> (i32, i32) {
    %c0_i32 = arith.constant 0 : i32
    %c0_i32_0 = arith.constant 0 : i32
    return %arg0, %c0_i32 : i32, i32
  }
  func.func @transform_1(%arg0: i32) -> (i32, i32) {
    %c0_i32 = arith.constant 0 : i32
    %c0_i32_0 = arith.constant 0 : i32
    %c0_i32_1 = arith.constant 0 : i32
    return %c0_i32, %c0_i32_0 : i32, i32
  }
  func.func @transform_2(%arg0: i32) -> (i32, i32) {
    %c0_i32 = arith.constant 0 : i32
    %c0_i32_0 = arith.constant 0 : i32
    %c0_i32_1 = arith.constant 0 : i32
    return %c0_i32, %c0_i32_0 : i32, i32
  }
  func.func @transform_3(%arg0: i32) -> (i32, i32) {
    %c0_i32 = arith.constant 0 : i32
    %c0_i32_0 = arith.constant 0 : i32
    return %arg0, %c0_i32 : i32, i32
  }
}

</mosaic_0001>

<sc_bundles>
// kernel: kernel.5.cloned.1.call-start
scs
__scs_entry_jumppad:
0x0: {  	(pc) =	sbr.rel $0x88, $3  }
0x1: {  	(tag) =	ssettag $0x0;
	lr =	simm.s32 $0x1  }
0x2: {  	[smem:$0x3F9D] =	sst lr;
	_ =	strace $0xD0000000  }
0x3: {  	_ = 	snop  }
0x4: {  	_ = 	snop  }
0x5: {  	_ = 	snop  }
0x6: {  	_ = 	snop  }
0x7: {  	_ = 	snop  }
__scs_overlays_trampoline_lowered:
0x8: {  	[smem:$0x3FAC] =	sst s0  }
0x9: {  	[smem:$0x3FAD] =	sst s1  }
0xa: {  	[smem:$0x3FAE] =	sst s2  }
0xb: {  	[smem:$0x3FAF] =	sst s3  }
0xc: {  	[smem:$0x3FB0] =	sst s4  }
0xd: {  	[smem:$0x3FB1] =	sst s5  }
0xe: {  	[smem:$0x3FB2] =	sst s6  }
0xf: {  	[smem:$0x3FB3] =	sst s7  }
0x10: {  	[smem:$0x3FB4] =	sst s8  }
0x11: {  	[smem:$0x3FB5] =	sst s9;
	s0 =	simm.s32 @!p0 $0x0  }
0x12: {  	s1 =	sld [smem:$0x3F9B];
	s0 =	simm.s32 @p0 $0x1  }
0x13: {  	[smem:$0x3FB6] =	sst s0;
	s0 =	simm.s32 @!p1 $0x0  }
0x14: {  	s2 =	sld [smem:$0x3F9A];
	s0 =	simm.s32 @p1 $0x1  }
0x15: {  	[smem:$0x3FB7] =	sst s0;
	s0 =	simm.s32 @!p2 $0x0  }
0x16: {  	s3 =	sld [smem:$0x3FDB];
	s0 =	simm.s32 @p2 $0x1  }
0x17: {  	s4 =	simm.s32 $0x1BF5;
	[smem:$0x3FB9] =	sst s0  }
0x18: {  	s0 =	sld [smem:$0x3F9C];
	_ =	swait.ge [sflag:s4], $0x0  }
0x19: {  	s7 =	sld [smem:$0x3F9D]  }
0x1a: {  	s8 =	sadd.s32 $0xFFFFE003, lr  }
0x1b: {  	s9 =	sadd.s32 $0xFFFFFEF7, lr;
	s5 =	simm.s32 $0xFFFFFFFF;
	p2 =	slt.u32 s8, $0xFFFFF086  }
0x1c: {  	p1 =	slt.u32 s9, $0xF7A;
	s5 =	simm.s32 @!p2 $0x0  }
0x1d: {  	s5 =	simm.s32 @p1 $0x1;
	p0 =	seq.s32 s7, s2  }
0x1e: {  	s7 =	smul.u32 @!p0 $0xF7A, s2;
	p2 =	seq.s32 @!p0 s5, $0x0  }
0x1f: {  	s9 =	smul.u32 $0xF7A, s1;
	s8 =	simm.s32 @!p0 $0x1BF5;
	p2 =	por !p2, p0  }
0x20: {  	[sflag:s8] =	ssyncset.s32 @!p0 $0xFFFFF086;
	s6 =	sadd.s32 @!p0 s3, s7;
	s7 =	simm.s32 @!p0 $0x108  }
0x21: {  	s3 =	sadd.s32 s3, s9;
	s6 =	sadd.s32 @!p0 $0x88, s6;
	s7 =	simm.s32 @p2 $0x1082  }
0x22: {  	[simem:s7], [sflag:s8] =	dma.local @!p0 [hbm:s6], $0xF7A  }
0x23: {  	s9 =	sor.u32 $0xD0000000, s2;
	s6 =	simm.s32 $0x108;
	_ =	swait.ge @!p0 [sflag:s8], $0x0  }
0x24: {  	s3 =	sadd.s32 $0x88, s3;
	s6 =	simm.s32 @!p1 $0x1082;
	[sflag:s4] =	ssyncset.s32 $0xFFFFF086  }
0x25: {  	[simem:s6], [sflag:s4] =	dma.local [hbm:s3], $0xF7A  }
0x26: {  	[smem:$0x3F9D] =	sst s1;
	(tag) =	ssettag s2;
	_ =	strace s9  }
0x27: {  	s1 =	sld [smem:$0x3FAD]  }
0x28: {  	s2 =	sld [smem:$0x3FAE]  }
0x29: {  	s4 =	sld [smem:$0x3FB0]  }
0x2a: {  	p0 =	seq.s32 s5, $0x0;
	s5 =	sld [smem:$0x3FB1]  }
0x2b: {  	s6 =	sld [smem:$0x3FB2]  }
0x2c: {  	s7 =	sld [smem:$0x3FB3]  }
0x2d: {  	s3 =	simm.s32 $0x108;
	s8 =	sld [smem:$0x3FB4]  }
0x2e: {  	s3 =	simm.s32 @!p0 $0x1082;
	s9 =	sld [smem:$0x3FB5]  }
0x2f: {  	lr =	sadd.s32 s0, s3;
	s0 =	sld [smem:$0x3FAC]  }
0x30: {  	s3 =	sld [smem:$0x3FAF]  }
0x31: {  	[smem:$0x3FB8] =	sst s10  }
0x32: {  	s10 =	sld [smem:$0x3FB6];
	_ =	sdelay $0x3  }
0x33: {  	p0 =	seq.s32 s10, $0x1;
	s10 =	sld [smem:$0x3FB8];
	_ =	sdelay $0x3  }
0x34: {  	[smem:$0x3FB8] =	sst s10  }
0x35: {  	s10 =	sld [smem:$0x3FB7];
	_ =	sdelay $0x3  }
0x36: {  	p1 =	seq.s32 s10, $0x1;
	s10 =	sld [smem:$0x3FB8];
	_ =	sdelay $0x3  }
0x37: {  	[smem:$0x3FB8] =	sst s10  }
0x38: {  	s10 =	sld [smem:$0x3FB9]  }
0x39: {  	_ = 	snop;
	(pc) =	sbr.ind lr, $3  }
0x3a: {  	_ = 	snop  }
0x3b: {  	_ = 	snop  }
0x3c: {  	p2 =	seq.s32 s10, $0x1;
	s10 =	sld [smem:$0x3FB8]  }
0x3d: {  	_ =	shalt  }
0x3e: {  	_ =	shalt  }
0x3f: {  	_ =	shalt  }
0x40: {  	_ =	shalt  }
0x41: {  	_ =	shalt  }
0x42: {  	_ =	shalt  }
0x43: {  	_ =	shalt  }
0x44: {  	_ =	shalt  }
0x45: {  	_ =	shalt  }
0x46: {  	_ =	shalt  }
0x47: {  	_ =	shalt  }
0x48: {  	_ =	shalt  }
0x49: {  	_ =	shalt  }
0x4a: {  	_ =	shalt  }
0x4b: {  	_ =	shalt  }
0x4c: {  	_ =	shalt  }
0x4d: {  	_ =	shalt  }
0x4e: {  	_ =	shalt  }
0x4f: {  	_ =	shalt  }
0x50: {  	_ =	shalt  }
0x51: {  	_ =	shalt  }
0x52: {  	_ =	shalt  }
0x53: {  	_ =	shalt  }
0x54: {  	_ =	shalt  }
0x55: {  	_ =	shalt  }
0x56: {  	_ =	shalt  }
0x57: {  	_ =	shalt  }
0x58: {  	_ =	shalt  }
0x59: {  	_ =	shalt  }
0x5a: {  	_ =	shalt  }
0x5b: {  	_ =	shalt  }
0x5c: {  	_ =	shalt  }
0x5d: {  	_ =	shalt  }
0x5e: {  	_ =	shalt  }
0x5f: {  	_ =	shalt  }
0x60: {  	_ =	shalt  }
0x61: {  	_ =	shalt  }
0x62: {  	_ =	shalt  }
0x63: {  	_ =	shalt  }
0x64: {  	_ =	shalt  }
0x65: {  	_ =	shalt  }
0x66: {  	_ =	shalt  }
0x67: {  	_ =	shalt  }
0x68: {  	_ =	shalt  }
0x69: {  	_ =	shalt  }
0x6a: {  	_ =	shalt  }
0x6b: {  	_ =	shalt  }
0x6c: {  	_ =	shalt  }
0x6d: {  	_ =	shalt  }
0x6e: {  	_ =	shalt  }
0x6f: {  	_ =	shalt  }
0x70: {  	_ =	shalt  }
0x71: {  	_ =	shalt  }
0x72: {  	_ =	shalt  }
0x73: {  	_ =	shalt  }
0x74: {  	_ =	shalt  }
0x75: {  	_ =	shalt  }
0x76: {  	_ =	shalt  }
0x77: {  	_ =	shalt  }
0x78: {  	_ =	shalt  }
0x79: {  	_ =	shalt  }
0x7a: {  	_ =	shalt  }
0x7b: {  	_ =	shalt  }
0x7c: {  	_ =	shalt  }
0x7d: {  	_ =	shalt  }
0x7e: {  	_ =	shalt  }
0x7f: {  	_ =	shalt  }
0x80: {  	_ =	shalt  }
0x81: {  	_ =	shalt  }
0x82: {  	_ =	shalt  }
0x83: {  	_ =	shalt  }
0x84: {  	_ =	shalt  }
0x85: {  	_ =	shalt  }
0x86: {  	_ =	shalt  }
0x87: {  	_ =	shalt  }
.Lfunc_end0:
.L_simem_size_0:
called_computation_lowered:
.L_overlay_start_0:
0x88: {  	s2 =	sld [smem:$0x3FD9]  }
0x89: {  	s3 =	sld [smem:$0x3FFE];
	_ =	sdelay $0x1  }
0x8a: {  	s1 =	srdreg.scid  }
0x8b: {  	s0 =	sand.u32 $0x1, s1  }
0x8c: {  	s17 =	sshll.u32 s0, $0xA;
	s2 =	sadd.s32 s3, s2  }
0x8d: {  	s2 =	sadd.s32 s2, s17  }
0x8e: {  	[smem:$0x3FC4] =	sst s2  }
0x8f: {  	_ = 	snop  }
0x90: {  	s2 =	sld [smem:$0x3FD0];
	(tm) =	ssettm $0x1  }
0x91: {  	s18 =	sld [smem:$0x3FFB];
	_ =	sdelay $0x3  }
0x92: {  	_ =	strace s18  }
0x93: {  	s3 =	sld [smem:$0x3FFC];
	_ =	sdelay $0x3  }
0x94: {  	_ =	strace s3  }
0x95: {  	s3 =	sld [smem:$0x3FFD];
	_ =	sdelay $0x3  }
0x96: {  	_ =	strace s3  }
0x97: {  	_ =	strace $0x8FFFFFFF  }
0x98: {  	s19 =	sld [smem:$0x3FDB];
	_ =	sdelay $0x1  }
0x99: {  	s4 =	simm.s32 $_scs_section_size  }
0x9a: {  	s5 =	simm.s32 $_size__tile_overlayer_lowered;
	s6 =	simm.s32 $_tile_overlayer_lowered  }
0x9b: {  	s22 =	simm.s32 $0x1BFF;
	s21 =	sshll.u32 s6, $0x1;
	s3 =	sadd.s32 s4, s19  }
0x9c: {  	s7 =	simm.s32 $0x0;
	s20 =	sshll.u32 s5, $0x1;
	s5 =	sadd.s32 s21, s3  }
0x9d: {  	[timem:s7], [sflag:s22] =	dma.local [hbm:s5], s20  }
0x9e: {  	_ =	swait.ge [sflag:s22], s20  }
0x9f: {  	s4 =	ssub.s32 $0x0, s20;
	[sflag:s22] =	ssyncset.done $0x0  }
0xa0: {  	[sflag:s22] =	ssyncadd.s32 s4;
	_ =	sdelay $0x1  }
0xa1: {  	s23 =	simm.s32 $0x1B8B  }
0xa2: {  	_ =	swait.ge [sflag:s23], $0x1  }
0xa3: {  	[sflag:s23] =	ssyncset.done $0x0  }
0xa4: {  	s25 =	simm.s32 $0x1B8E;
	s24 =	sld [smem:$0x3FFE];
	[sflag:s23] =	ssyncadd.s32 $0xFFFFFFFF  }
0xa5: {  	s26 =	simm.s32 $execute0_lowered;
	[smem:$0x3FD2] =	sst s25  }
0xa6: {  	s5 =	sshll.u32 s26, $0x1;
	_ =	strace $0x80000046;
	[dreg:$0x1] =	wrdreg $0xFFFFFFFF  }
0xa7: {  	s28 =	simm.s32 $_size_execute0_lowered;
	s3 =	sadd.s32 s3, s5;
	[dreg:$0x0] =	wrdreg $0x0  }
0xa8: {  	s5 =	sshll.u32 s28, $0x1;
	[dreg:$0x2] =	wrdreg s3  }
0xa9: {  	[dreg:$0x3] =	wrdreg s5  }
0xaa: {  	[dreg:$0x4] =	wrdreg $0xC0  }
0xab: {  	_ =	task [dreg:s7], $0x5FFFF  }
0xac: {  	[dreg:$0x1] =	wrdreg $0xFFFFFFFF  }
0xad: {  	[dreg:$0x0] =	wrdreg $0x60  }
0xae: {  	[dreg:$0x2] =	wrdreg s24  }
0xaf: {  	[dreg:$0x3] =	wrdreg s2  }
0xb0: {  	[dreg:$0x4] =	wrdreg $0x9  }
0xb1: {  	_ =	task.clear_ibuf [dreg:s7], $0x5FFFF;
	_ =	strace $0x90000046  }
0xb2: {  	s29 =	simm.s32 $0x9;
	_ =	strace $0x80000048  }
0xb3: {  	_ =	swait.ge [sflag:s29], $0x1  }
0xb4: {  	[sflag:s29] =	ssyncadd.s32 $0xFFFFFFFF  }
0xb5: {  	_ =	strace $0x90000048  }
0xb6: {  	_ =	sfence  }
0xb7: {  	s30 =	sld [smem:$0x0];
	_ =	sdelay $0x2  }
0xb8: {  	s31 =	sshll.u32 s1, $0xD;
	s1 =	sshrl.u32 s1, $0x2  }
0xb9: {  	s3 =	sand.u32 $0x4000, s31;
	s1 =	sadd.s32 s1, s30  }
0xba: {  	s0 =	sor.u32 s3, s0;
	s1 =	sshll.u32 s1, $0x11  }
0xbb: {  	s0 =	sor.u32 s1, s0  }
0xbc: {  	s0 =	sadd.s32 $0x8F2B, s0  }
0xbd: {  	[sflag:s0] =	ssyncadd.remote.s32 $0x1  }
0xbe: {  	_ =	sfence.sel $0xFFFF  }
0xbf: {  	[dreg:$0x0] =	wrdreg $0xFFFFFFFF;
	(pc) =	sbr.abs _section_cstart, $3  }
0xc0: {  	[dreg:$0x1] =	wrdreg $0xFFFFFFFF  }
0xc1: {  	_ =	task.clear_ibuf [dreg:s7], $0x2FFFF;
	_ =	strace $0x9FFFFFFF  }
0xc2: {  	(tm) =	ssettm $0x7FFFFFFF  }
0xc3: {  	_ =	shalt  }
tec
execute0_lowered:
.L_overlay_start_1:
0x0: {  	(tag) =	ssettag $0x1  }
0x1: {  	s0 =	rddreg [dreg:$0x0]  }
0x2: {  	s1 =	rddreg [dreg:$0x1];
	s2 =	simm.s32 $0x0;
	s3 =	srdreg.scid  }
0x3: {  	s5 =	stileid.u32;
	s10 =	simm.s32 $0x3;
	s11 =	simm.s32 $0x50  }
0x4: {  	s31 =	simm.s32 $0x320;
	s14 =	simm.s32 $0x8840;
	s15 =	simm.s32 $0x460  }
0x5: {  	s16 =	simm.s32 $0x9240;
	s17 =	simm.s32 $0x4B0;
	s18 =	simm.s32 $0x9C40  }
0x6: {  	s19 =	simm.s32 $0x500;
	s20 =	simm.s32 $0xA640;
	s21 =	simm.s32 $0x550  }
0x7: {  	s22 =	simm.s32 $0xB040;
	s28 =	simm.s32 $0x1;
	s29 =	simm.s32 $0xCE40  }
0x8: {  	s30 =	simm.s32 $0x2;
	[smem:$0x7FF] =	sst s2;
	s4 =	sand.u32 $0x1, s3  }
0x9: {  	s5 =	sshll.u32 s5, $0x1;
	s3 =	sadd.s32 $0x1A800, s0;
	_ =	strace $0x80000047  }
0xa: {  	s6 =	ssub.s32 $0x2, s4;
	s7 =	sor.u32 s4, s5;
	s4 =	sadd.s32 $0x1000, s0  }
0xb: {  	s23 =	sshrl.u32 s6, $0x1;
	s8 =	smul.u32 $0xC80, s7;
	s24 =	sshll.u32 s7, $0xC  }
0xc: {  	s5 =	sshll.u32 s7, $0x9;
	s0 =	ssub.s32 s6, s23;
	s7 =	sadd.s32 s1, s24  }
0xd: {  	s26 =	sor.u32 $0x20, s5;
	s23 =	simm.s32 $0x5A0;
	s24 =	simm.s32 $0xBA40  }
0xe: {  	s1 =	simm.s32 $0x0;
	s25 =	sadd.s32 s4, s8;
	[dreg:$0x4] =	wrdreg s26  }
0xf: {  	s0 =	smax.u32 s0, $0x1;
	s26 =	simm.s32 $0xC440;
	[dreg:$0x3] =	wrdreg s25  }
0x10: {  	v0 =	vimm.s32 $0x0;
	s8 =	simm.s32 $0x0;
	[dreg:$0x5] =	wrdreg s0;
	s25 =	simm.s32 $0x5F0  }
.LBB2_1:
0x11: {  	[dreg:$0x6] =	wrdreg s1  }
0x12: {  	s0 =	rddreg [dreg:$0x3]  }
0x13: {  	[tilespmem:s2], [sflag:$0x3] =	stream.linear.gather [hbm4b:s0+s2], $0x320, $0x38;
	[tilespmem:$0xD240] =	vst v63  }
0x14: {  	_ =	swait.ge [sflag:s10], $0x320  }
0x15: {  	[sflag:s10] =	ssyncset.done $0x0  }
0x16: {  	s1 =	simm.s32 $0x40;
	s0 =	simm.s32 $0x0;
	[sflag:s10] =	ssyncadd.s32 $0xFFFFFCE0  }
.LBB2_2:
0x17: {  	p0 =	sne.s32 s1, $0xC40;
	v1 =	vld [tilespmem:s0+$0x0];
	_ =	sdelay $0x4  }
0x18: {  	vm0 =	vgt.s32 v1, $0x3FFFF;
	vm1 =	vgt.s32 v1, $0x7FFFF  }
0x19: {  	v2 =	vsel vm0, $0x1, v0;
	v3 =	vsel vm1, $0x1, v0;
	vm0 =	vgt.s32 v1, $0xBFFFF  }
0x1a: {  	v2 =	vadd.s32 v3, v2;
	v3 =	vsel vm0, $0x1, v0  }
.Ltmp0:
0x1b: {  	v2 =	vadd.s32 v3, v2;
	(pc) =	sbr.rel @p0 .LBB2_2-.Ltmp0, $4  }
0x1c: {  	v2 =	vmul.u32 $0xFFF00001, v2  }
0x1d: {  	v1 =	vshll.u32 v1, $0x2  }
0x1e: {  	v1 =	vadd.s32 v1, v2  }
0x1f: {  	[tilespmem:s0+$0x0] =	vst v1;
	s0 =	sshra.s32 s1, $0x2;
	s1 =	sadd.s32 $0x40, s1  }
0x20: {  	v1 =	vld [tilespmem:s0+$0x0];
	_ =	sdelay $0x4  }
0x21: {  	vm0 =	vgt.s32 v1, $0x3FFFF;
	vm1 =	vgt.s32 v1, $0x7FFFF  }
0x22: {  	vm15 =	vgt.s32 v1, $0xBFFFF;
	v2 =	vsel vm0, $0x1, v0;
	v3 =	vsel vm1, $0x1, v0  }
0x23: {  	v2 =	vadd.s32 v3, v2;
	v3 =	vsel vm15, $0x1, v0  }
0x24: {  	v2 =	vadd.s32 v3, v2  }
0x25: {  	v2 =	vmul.u32 $0xFFF00001, v2  }
0x26: {  	v1 =	vshll.u32 v1, $0x2  }
0x27: {  	v1 =	vadd.s32 v1, v2  }
0x28: {  	s1 =	simm.s32 $0x640;
	[tilespmem:s0+$0x0] =	vst v1  }
0x29: {  	[tilespmem:s1], [sflag:$0x1] =	stream.indirect.gather [hbm4b:s3+s11], $0x20, s8, s11, $0xb8;
	[tilespmem:$0xD240] =	vst v63  }
0x2a: {  	s6 =	simm.s32 $0x1040  }
0x2b: {  	[tilespmem:s6], [sflag:$0x1] =	stream.indirect.gather [hbm4b:s3+s11], $0x20, s11, s11, $0xb8;
	[tilespmem:$0xD240] =	vst v63  }
0x2c: {  	s9 =	simm.s32 $0xA0;
	s1 =	simm.s32 $0x1A40  }
0x2d: {  	[tilespmem:s1], [sflag:$0x1] =	stream.indirect.gather [hbm4b:s3+s11], $0x20, s9, s11, $0xb8;
	[tilespmem:$0xD240] =	vst v63  }
0x2e: {  	s12 =	simm.s32 $0xF0;
	s13 =	simm.s32 $0x2440  }
0x2f: {  	[tilespmem:s13], [sflag:$0x1] =	stream.indirect.gather [hbm4b:s3+s11], $0x20, s12, s11, $0xb8;
	[tilespmem:$0xD240] =	vst v63  }
0x30: {  	s6 =	simm.s32 $0x140;
	s9 =	simm.s32 $0x2E40  }
0x31: {  	[tilespmem:s9], [sflag:$0x1] =	stream.indirect.gather [hbm4b:s3+s11], $0x20, s6, s11, $0xb8;
	[tilespmem:$0xD240] =	vst v63  }
0x32: {  	s12 =	simm.s32 $0x190;
	s13 =	simm.s32 $0x3840  }
0x33: {  	[tilespmem:s13], [sflag:$0x1] =	stream.indirect.gather [hbm4b:s3+s11], $0x20, s12, s11, $0xb8;
	[tilespmem:$0xD240] =	vst v63  }
0x34: {  	s6 =	simm.s32 $0x1E0;
	s9 =	simm.s32 $0x4240  }
0x35: {  	[tilespmem:s9], [sflag:$0x1] =	stream.indirect.gather [hbm4b:s3+s11], $0x20, s6, s11, $0xb8;
	[tilespmem:$0xD240] =	vst v63  }
0x36: {  	s12 =	simm.s32 $0x230;
	s13 =	simm.s32 $0x4C40  }
0x37: {  	[tilespmem:s13], [sflag:$0x1] =	stream.indirect.gather [hbm4b:s3+s11], $0x20, s12, s11, $0xb8;
	[tilespmem:$0xD240] =	vst v63  }
0x38: {  	s6 =	simm.s32 $0x280;
	s9 =	simm.s32 $0x5640  }
0x39: {  	[tilespmem:s9], [sflag:$0x1] =	stream.indirect.gather [hbm4b:s3+s11], $0x20, s6, s11, $0xb8;
	[tilespmem:$0xD240] =	vst v63  }
0x3a: {  	s0 =	simm.s32 $0x0;
	s12 =	simm.s32 $0x2D0;
	s13 =	simm.s32 $0x6040  }
0x3b: {  	[tilespmem:s13], [sflag:$0x1] =	stream.indirect.gather [hbm4b:s3+s11], $0x20, s12, s11, $0xb8;
	[tilespmem:$0xD240] =	vst v63  }
.LBB2_4:
0x3c: {  	s1 =	sshllo.u32 s0, $0x1  }
0x3d: {  	s6 =	sshll.u32 s1, $0x4  }
0x3e: {  	s6 =	sadd.s32 s5, s6  }
0x3f: {  	s6 =	smul.u32 $0x32, s6;
	_ =	sdelay $0x1  }
0x40: {  	s6 =	sshrl.u32 s6, $0x3  }
0x41: {  	s6 =	sadd.s32 s4, s6  }
0x42: {  	[tilespmem:s31], [sflag:$0x3] =	stream.linear.gather [hbm4b:s6+s8], $0x320, $0x38;
	[tilespmem:$0xD240] =	vst v63  }
0x43: {  	_ =	swait.ge [sflag:s10], $0x320  }
0x44: {  	[sflag:s10] =	ssyncset.done $0x0  }
0x45: {  	s9 =	simm.s32 $0x40;
	s6 =	simm.s32 $0x0;
	[sflag:s10] =	ssyncadd.s32 $0xFFFFFCE0  }
.LBB2_5:
0x46: {  	p0 =	sne.s32 s9, $0xC40;
	v1 =	vld [tilespmem:s6+$0x320];
	_ =	sdelay $0x4  }
0x47: {  	vm0 =	vgt.s32 v1, $0x3FFFF;
	vm1 =	vgt.s32 v1, $0x7FFFF  }
0x48: {  	v2 =	vsel vm0, $0x1, v0;
	v3 =	vsel vm1, $0x1, v0;
	vm0 =	vgt.s32 v1, $0xBFFFF  }
0x49: {  	v2 =	vadd.s32 v3, v2;
	v3 =	vsel vm0, $0x1, v0  }
.Ltmp1:
0x4a: {  	v2 =	vadd.s32 v3, v2;
	(pc) =	sbr.rel @p0 .LBB2_5-.Ltmp1, $4  }
0x4b: {  	v2 =	vmul.u32 $0xFFF00001, v2  }
0x4c: {  	v1 =	vshll.u32 v1, $0x2  }
0x4d: {  	v1 =	vadd.s32 v1, v2  }
0x4e: {  	[tilespmem:s6+$0x320] =	vst v1;
	s6 =	sshra.s32 s9, $0x2;
	s9 =	sadd.s32 $0x40, s9  }
0x4f: {  	v1 =	vld [tilespmem:s6+$0x320];
	_ =	sdelay $0x4  }
0x50: {  	vm0 =	vgt.s32 v1, $0x3FFFF;
	vm1 =	vgt.s32 v1, $0x7FFFF  }
0x51: {  	vm15 =	vgt.s32 v1, $0xBFFFF;
	v2 =	vsel vm0, $0x1, v0;
	v3 =	vsel vm1, $0x1, v0  }
0x52: {  	v2 =	vadd.s32 v3, v2;
	v3 =	vsel vm15, $0x1, v0  }
0x53: {  	v2 =	vadd.s32 v3, v2  }
0x54: {  	v2 =	vmul.u32 $0xFFF00001, v2  }
0x55: {  	v1 =	vshll.u32 v1, $0x2  }
0x56: {  	v1 =	vadd.s32 v1, v2  }
0x57: {  	s12 =	simm.s32 $0x6A40;
	[tilespmem:s6+$0x320] =	vst v1  }
0x58: {  	[tilespmem:s12], [sflag:$0x2] =	stream.indirect.gather [hbm4b:s3+s11], $0x20, s31, s11, $0xb8;
	[tilespmem:$0xD240] =	vst v63  }
0x59: {  	s13 =	simm.s32 $0x370;
	s9 =	simm.s32 $0x7440  }
0x5a: {  	[tilespmem:s9], [sflag:$0x2] =	stream.indirect.gather [hbm4b:s3+s11], $0x20, s13, s11, $0xb8;
	[tilespmem:$0xD240] =	vst v63  }
0x5b: {  	s12 =	simm.s32 $0x7E40;
	s9 =	simm.s32 $0x3C0  }
0x5c: {  	[tilespmem:s12], [sflag:$0x2] =	stream.indirect.gather [hbm4b:s3+s11], $0x20, s9, s11, $0xb8;
	[tilespmem:$0xD240] =	vst v63  }
0x5d: {  	s13 =	simm.s32 $0x410  }
0x5e: {  	[tilespmem:s14], [sflag:$0x2] =	stream.indirect.gather [hbm4b:s3+s11], $0x20, s13, s11, $0xb8;
	[tilespmem:$0xD240] =	vst v63  }
0x5f: {  	_ = 	snop  }
0x60: {  	[tilespmem:s16], [sflag:$0x2] =	stream.indirect.gather [hbm4b:s3+s11], $0x20, s15, s11, $0xb8;
	[tilespmem:$0xD240] =	vst v63  }
0x61: {  	_ = 	snop  }
0x62: {  	[tilespmem:s18], [sflag:$0x2] =	stream.indirect.gather [hbm4b:s3+s11], $0x20, s17, s11, $0xb8;
	[tilespmem:$0xD240] =	vst v63  }
0x63: {  	_ = 	snop  }
0x64: {  	[tilespmem:s20], [sflag:$0x2] =	stream.indirect.gather [hbm4b:s3+s11], $0x20, s19, s11, $0xb8;
	[tilespmem:$0xD240] =	vst v63  }
0x65: {  	_ = 	snop  }
0x66: {  	[tilespmem:s22], [sflag:$0x2] =	stream.indirect.gather [hbm4b:s3+s11], $0x20, s21, s11, $0xb8;
	[tilespmem:$0xD240] =	vst v63  }
0x67: {  	_ = 	snop  }
0x68: {  	[tilespmem:s24], [sflag:$0x2] =	stream.indirect.gather [hbm4b:s3+s11], $0x20, s23, s11, $0xb8;
	[tilespmem:$0xD240] =	vst v63  }
0x69: {  	_ = 	snop  }
0x6a: {  	[tilespmem:s26], [sflag:$0x2] =	stream.indirect.gather [hbm4b:s3+s11], $0x20, s25, s11, $0xb8;
	[tilespmem:$0xD240] =	vst v63  }
0x6b: {  	_ =	swait.ge [sflag:s28], $0x6400  }
0x6c: {  	[sflag:s28] =	ssyncset.done $0x0  }
0x6d: {  	s6 =	simm.s32 $0x0;
	s9 =	simm.s32 $0x690;
	[sflag:s28] =	ssyncadd.s32 $0xFFFF9C00  }
.LBB2_7:
0x6e: {  	v1 =	vmov s9;
	_ =	sdelay $0x3  }
0x6f: {  	s13 =	simm.s32 $0x0  }
0x70: {  	v3 =	vld.idx.msk [tilespmem:v1+s13+$0x30 ss:$0x1], $0xffff  }
0x71: {  	v4 =	vld.idx.msk [tilespmem:v1+s13+$0x10 ss:$0x1], $0xffff  }
0x72: {  	v5 =	vld.idx.msk [tilespmem:v1+s13+$0xFFFFFFF0 ss:$0x1], $0xffff  }
0x73: {  	v6 =	vld.idx.msk [tilespmem:v1+s13+$0xFFFFFFD0 ss:$0x1], $0xffff  }
0x74: {  	v7 =	vld.idx.msk [tilespmem:v1+s13+$0xFFFFFFB0 ss:$0x1], $0xffff  }
0x75: {  	v8 =	vld.idx.msk [tilespmem:v1+s13+$0xFFFFFFC0 ss:$0x1], $0xffff;
	_ =	sdelay $0x1  }
0x76: {  	v9 =	vimm.f32 $0.0e+00;
	v10 =	vld.idx.msk [tilespmem:v1+s13+$0xFFFFFFE0 ss:$0x1], $0xffff;
	v2 =	vunpack.i.u.bf16.f32 v3;
	v3 =	vunpack.i.l.bf16.f32 v3  }
0x77: {  	v11 =	vunpack.i.u.bf16.f32 v5;
	v12 =	vunpack.i.u.bf16.f32 v4;
	v13 =	vunpack.i.l.bf16.f32 v4  }
0x78: {  	v14 =	vld.idx.msk [tilespmem:v1+s13+$0x0 ss:$0x1], $0xffff;
	v4 =	vunpack.i.u.bf16.f32 v6;
	v6 =	vunpack.i.l.bf16.f32 v6;
	v15 =	vunpack.i.l.bf16.f32 v5  }
0x79: {  	v5 =	vunpack.i.u.bf16.f32 v7;
	v7 =	vunpack.i.l.bf16.f32 v7;
	v16 =	vunpack.i.u.bf16.f32 v8  }
0x7a: {  	v17 =	vld.idx.msk [tilespmem:v1+s13+$0x20 ss:$0x1], $0xffff;
	v18 =	vadd.f32 v7, v9;
	v19 =	vadd.f32 v5, v9;
	v5 =	vunpack.i.l.bf16.f32 v8  }
0x7b: {  	s12 =	simm.s32 $0xA0;
	v7 =	vld.idx.msk [tilespmem:v1+s13+$0x40 ss:$0x1], $0xffff;
	v8 =	vadd.f32 v5, v9;
	v9 =	vadd.f32 v16, v9;
	v16 =	vunpack.i.u.bf16.f32 v10  }
0x7c: {  	v5 =	vld.idx.msk [tilespmem:v1+s12+$0x30 ss:$0x1], $0xffff;
	v18 =	vadd.f32 v6, v18;
	v19 =	vadd.f32 v4, v19;
	v4 =	vunpack.i.l.bf16.f32 v10  }
0x7d: {  	v6 =	vld.idx.msk [tilespmem:v1+s12+$0x10 ss:$0x1], $0xffff;
	v10 =	vadd.f32 v4, v8;
	v9 =	vadd.f32 v16, v9;
	v16 =	vunpack.i.u.bf16.f32 v14  }
0x7e: {  	v4 =	vld.idx.msk [tilespmem:v1+s12+$0xFFFFFFF0 ss:$0x1], $0xffff;
	v15 =	vadd.f32 v15, v18;
	v62 =	vadd.f32 v11, v19;
	v11 =	vunpack.i.l.bf16.f32 v14  }
0x7f: {  	v63 =	vunpack.i.u.bf16.f32 v17;
	v8 =	vld.idx.msk [tilespmem:v1+s12+$0xFFFFFFD0 ss:$0x1], $0xffff;
	v14 =	vadd.f32 v11, v10;
	v16 =	vadd.f32 v16, v9  }
0x80: {  	v10 =	vld.idx.msk [tilespmem:v1+s12+$0xFFFFFFB0 ss:$0x1], $0xffff;
	v11 =	vadd.f32 v13, v15;
	v12 =	vadd.f32 v12, v62;
	v13 =	vunpack.i.l.bf16.f32 v17  }
0x81: {  	s13 =	simm.s32 $0x500;
	v9 =	vld.idx.msk [tilespmem:v1+s12+$0xFFFFFFC0 ss:$0x1], $0xffff;
	v15 =	vunpack.i.u.bf16.f32 v7;
	v13 =	vadd.f32 v13, v14;
	v14 =	vadd.f32 v63, v16  }
.LBB2_8:
0x82: {  	p0 =	sne.s32 s13, $0x1680;
	v11 =	vadd.f32 v3, v11;
	v12 =	vadd.f32 v2, v12;
	v2 =	vunpack.i.l.bf16.f32 v7  }
0x83: {  	v16 =	vld.idx.msk [tilespmem:v1+s12+$0xFFFFFFE0 ss:$0x1], $0xffff;
	v7 =	vadd.f32 v2, v13;
	v13 =	vadd.f32 v15, v14  }
0x84: {  	v3 =	vunpack.i.l.bf16.f32 v5;
	v2 =	vunpack.i.u.bf16.f32 v5  }
0x85: {  	v17 =	vunpack.i.u.bf16.f32 v6;
	v18 =	vunpack.i.l.bf16.f32 v6;
	v14 =	vunpack.i.u.bf16.f32 v4;
	v15 =	vld.idx.msk [tilespmem:v1+s12+$0x0 ss:$0x1], $0xffff  }
0x86: {  	v19 =	vunpack.i.l.bf16.f32 v4;
	v6 =	vunpack.i.u.bf16.f32 v8;
	v8 =	vunpack.i.l.bf16.f32 v8  }
0x87: {  	v4 =	vunpack.i.u.bf16.f32 v10;
	v5 =	vunpack.i.l.bf16.f32 v10;
	v10 =	vunpack.i.u.bf16.f32 v9;
	v20 =	vld.idx.msk [tilespmem:v1+s12+$0x20 ss:$0x1], $0xffff  }
0x88: {  	v11 =	vadd.f32 v5, v11;
	v4 =	vadd.f32 v4, v12;
	v5 =	vunpack.i.l.bf16.f32 v9  }
0x89: {  	v9 =	vadd.f32 v5, v7;
	v10 =	vadd.f32 v10, v13;
	v12 =	vunpack.i.u.bf16.f32 v16;
	v7 =	vld.idx.msk [tilespmem:v1+s12+$0x40 ss:$0x1], $0xffff;
	s12 =	sshra.s32 s13, $0x2  }
0x8a: {  	v8 =	vadd.f32 v8, v11;
	v11 =	vadd.f32 v6, v4;
	v4 =	vunpack.i.l.bf16.f32 v16;
	v5 =	vld.idx.msk [tilespmem:v1+s12+$0x30 ss:$0x1], $0xffff  }
.Ltmp2:
0x8b: {  	v9 =	vadd.f32 v4, v9;
	v10 =	vadd.f32 v12, v10;
	v12 =	vunpack.i.u.bf16.f32 v15;
	v6 =	vld.idx.msk [tilespmem:v1+s12+$0x10 ss:$0x1], $0xffff;
	(pc) =	sbr.rel @p0 .LBB2_8-.Ltmp2, $4  }
0x8c: {  	v13 =	vadd.f32 v19, v8;
	v14 =	vadd.f32 v14, v11;
	v11 =	vunpack.i.l.bf16.f32 v15;
	v4 =	vld.idx.msk [tilespmem:v1+s12+$0xFFFFFFF0 ss:$0x1], $0xffff  }
0x8d: {  	v15 =	vadd.f32 v11, v9;
	v16 =	vadd.f32 v12, v10;
	v19 =	vunpack.i.u.bf16.f32 v20;
	v8 =	vld.idx.msk [tilespmem:v1+s12+$0xFFFFFFD0 ss:$0x1], $0xffff  }
0x8e: {  	v11 =	vadd.f32 v18, v13;
	v12 =	vadd.f32 v17, v14;
	v13 =	vunpack.i.l.bf16.f32 v20;
	v10 =	vld.idx.msk [tilespmem:v1+s12+$0xFFFFFFB0 ss:$0x1], $0xffff  }
0x8f: {  	s13 =	sadd.s32 $0x280, s13;
	v13 =	vadd.f32 v13, v15;
	v14 =	vadd.f32 v19, v16;
	v15 =	vunpack.i.u.bf16.f32 v7;
	v9 =	vld.idx.msk [tilespmem:v1+s12+$0xFFFFFFC0 ss:$0x1], $0xffff  }
0x90: {  	_ =	sdelay $0x1  }
0x91: {  	v3 =	vadd.f32 v3, v11;
	v2 =	vadd.f32 v2, v12;
	v7 =	vunpack.i.l.bf16.f32 v7  }
0x92: {  	v43 =	vunpack.i.u.bf16.f32 v5;
	v45 =	vunpack.i.l.bf16.f32 v5;
	v47 =	vunpack.i.u.bf16.f32 v6  }
0x93: {  	v44 =	vld.idx.msk [tilespmem:v1+s12+$0xFFFFFFE0 ss:$0x1], $0xffff;
	v48 =	vunpack.i.l.bf16.f32 v6;
	v7 =	vadd.f32 v7, v13;
	v42 =	vadd.f32 v15, v14  }
0x94: {  	v46 =	vunpack.i.u.bf16.f32 v4;
	v51 =	vunpack.i.l.bf16.f32 v4;
	v17 =	vunpack.i.l.bf16.f32 v10  }
0x95: {  	v18 =	vld.idx.msk [tilespmem:v1+s12+$0x0 ss:$0x1], $0xffff;
	v16 =	vunpack.i.u.bf16.f32 v8;
	v50 =	vunpack.i.u.bf16.f32 v10;
	v3 =	vadd.f32 v17, v3  }
0x96: {  	v49 =	vunpack.i.l.bf16.f32 v8;
	v2 =	vadd.f32 v50, v2;
	v52 =	vunpack.i.l.bf16.f32 v9  }
0x97: {  	v54 =	vld.idx.msk [tilespmem:v1+s12+$0x20 ss:$0x1], $0xffff;
	v53 =	vunpack.i.u.bf16.f32 v9;
	v7 =	vadd.f32 v52, v7;
	v3 =	vadd.f32 v49, v3  }
0x98: {  	v55 =	vadd.f32 v53, v42;
	v56 =	vunpack.i.l.bf16.f32 v44;
	v2 =	vadd.f32 v16, v2  }
0x99: {  	v1 =	vld.idx.msk [tilespmem:v1+s12+$0x40 ss:$0x1], $0xffff;
	v57 =	vunpack.i.u.bf16.f32 v44;
	v7 =	vadd.f32 v56, v7;
	v3 =	vadd.f32 v51, v3  }
0x9a: {  	v59 =	vunpack.i.l.bf16.f32 v18;
	v58 =	vadd.f32 v57, v55;
	v2 =	vadd.f32 v46, v2  }
0x9b: {  	v60 =	vunpack.i.u.bf16.f32 v18;
	v7 =	vadd.f32 v59, v7;
	v3 =	vadd.f32 v48, v3  }
0x9c: {  	s13 =	sshll.u32 s6, $0x6;
	s6 =	sadd.s32 $0x1, s6;
	v61 =	vunpack.i.l.bf16.f32 v54;
	v4 =	vadd.f32 v60, v58;
	v2 =	vadd.f32 v47, v2  }
0x9d: {  	p0 =	sne.s32 s6, $0x10;
	v62 =	vunpack.i.u.bf16.f32 v54;
	v6 =	vadd.f32 v61, v7;
	v3 =	vadd.f32 v45, v3  }
.Ltmp3:
0x9e: {  	s12 =	sand.u32 $0x3FFFFFC0, s13;
	v63 =	vunpack.i.l.bf16.f32 v1;
	v4 =	vadd.f32 v62, v4;
	v2 =	vadd.f32 v43, v2;
	(pc) =	sbr.rel @p0 .LBB2_7-.Ltmp3, $4  }
0x9f: {  	v1 =	vunpack.i.u.bf16.f32 v1;
	v5 =	vadd.f32 v63, v6;
	[tilespmem:s12+$0xCE40] =	vst v3  }
0xa0: {  	v1 =	vadd.f32 v1, v4;
	[tilespmem:s12+$0xCE50] =	vst v2  }
0xa1: {  	[tilespmem:s12+$0xCE60] =	vst v5  }
0xa2: {  	s9 =	sadd.s32 $0x640, s9;
	[tilespmem:s12+$0xCE70] =	vst v1  }
0xa3: {  	s6 =	sshll.u32 s0, $0x8;
	p0 =	seq.s32 s0, $0xF  }
.Ltmp4:
0xa4: {  	s6 =	sadd.s32 s6, s7;
	(pc) =	sbr.rel @p0 .LBB2_14-.Ltmp4, $4  }
0xa5: {  	[hbm4b:s6+s2] =	stream.linear.scatter [tilespmem:s29], [sflag:$0x3], $0x400, $0x38;
	[tilespmem:$0xD240] =	vst v63  }
0xa6: {  	_ =	swait.ge [sflag:s10], $0x400  }
0xa7: {  	[sflag:s10] =	ssyncset.done $0x0  }
0xa8: {  	[sflag:s10] =	ssyncadd.s32 $0xFFFFFC00  }
0xa9: {  	s6 =	sshll.u32 s0, $0x5;
	s9 =	rddreg [dreg:$0x4]  }
0xaa: {  	s6 =	sadd.s32 s6, s9  }
0xab: {  	s6 =	smul.u32 $0x32, s6;
	_ =	sdelay $0x1  }
0xac: {  	s6 =	sshrl.u32 s6, $0x3  }
0xad: {  	s13 =	simm.s32 $0x0;
	s6 =	sadd.s32 s4, s6  }
0xae: {  	[tilespmem:s13], [sflag:$0x3] =	stream.linear.gather [hbm4b:s6+s13], $0x320, $0x38;
	[tilespmem:$0xD240] =	vst v63  }
0xaf: {  	_ =	swait.ge [sflag:s10], $0x320  }
0xb0: {  	[sflag:s10] =	ssyncset.done $0x0  }
0xb1: {  	s9 =	simm.s32 $0x40;
	s6 =	simm.s32 $0x0;
	[sflag:s10] =	ssyncadd.s32 $0xFFFFFCE0  }
.LBB2_12:
0xb2: {  	p0 =	sne.s32 s9, $0xC40;
	v1 =	vld [tilespmem:s6+$0x0];
	_ =	sdelay $0x4  }
0xb3: {  	vm0 =	vgt.s32 v1, $0x3FFFF;
	vm1 =	vgt.s32 v1, $0x7FFFF  }
0xb4: {  	v2 =	vsel vm0, $0x1, v0;
	v3 =	vsel vm1, $0x1, v0;
	vm0 =	vgt.s32 v1, $0xBFFFF  }
0xb5: {  	v2 =	vadd.s32 v3, v2;
	v3 =	vsel vm0, $0x1, v0  }
.Ltmp5:
0xb6: {  	v2 =	vadd.s32 v3, v2;
	(pc) =	sbr.rel @p0 .LBB2_12-.Ltmp5, $4  }
0xb7: {  	v2 =	vmul.u32 $0xFFF00001, v2  }
0xb8: {  	v1 =	vshll.u32 v1, $0x2  }
0xb9: {  	v1 =	vadd.s32 v1, v2  }
0xba: {  	[tilespmem:s6+$0x0] =	vst v1;
	s6 =	sshra.s32 s9, $0x2;
	s9 =	sadd.s32 $0x40, s9  }
0xbb: {  	v1 =	vld [tilespmem:s6+$0x0];
	_ =	sdelay $0x4  }
0xbc: {  	vm0 =	vgt.s32 v1, $0x3FFFF;
	vm1 =	vgt.s32 v1, $0x7FFFF  }
0xbd: {  	vm15 =	vgt.s32 v1, $0xBFFFF;
	v2 =	vsel vm0, $0x1, v0;
	v3 =	vsel vm1, $0x1, v0  }
0xbe: {  	v2 =	vadd.s32 v3, v2;
	v3 =	vsel vm15, $0x1, v0  }
0xbf: {  	v2 =	vadd.s32 v3, v2  }
0xc0: {  	v2 =	vmul.u32 $0xFFF00001, v2  }
0xc1: {  	v1 =	vshll.u32 v1, $0x2  }
0xc2: {  	v1 =	vadd.s32 v1, v2  }
0xc3: {  	s9 =	simm.s32 $0x640;
	[tilespmem:s6+$0x0] =	vst v1  }
0xc4: {  	[tilespmem:s9], [sflag:$0x1] =	stream.indirect.gather [hbm4b:s3+s11], $0x20, s2, s11, $0xb8;
	[tilespmem:$0xD240] =	vst v63  }
0xc5: {  	s12 =	simm.s32 $0x1040  }
0xc6: {  	[tilespmem:s12], [sflag:$0x1] =	stream.indirect.gather [hbm4b:s3+s11], $0x20, s11, s11, $0xb8;
	[tilespmem:$0xD240] =	vst v63  }
0xc7: {  	s13 =	simm.s32 $0xA0;
	s9 =	simm.s32 $0x1A40  }
0xc8: {  	[tilespmem:s9], [sflag:$0x1] =	stream.indirect.gather [hbm4b:s3+s11], $0x20, s13, s11, $0xb8;
	[tilespmem:$0xD240] =	vst v63  }
0xc9: {  	s12 =	simm.s32 $0xF0;
	s13 =	simm.s32 $0x2440  }
0xca: {  	[tilespmem:s13], [sflag:$0x1] =	stream.indirect.gather [hbm4b:s3+s11], $0x20, s12, s11, $0xb8;
	[tilespmem:$0xD240] =	vst v63  }
0xcb: {  	s12 =	simm.s32 $0x140;
	s13 =	simm.s32 $0x2E40  }
0xcc: {  	[tilespmem:s13], [sflag:$0x1] =	stream.indirect.gather [hbm4b:s3+s11], $0x20, s12, s11, $0xb8;
	[tilespmem:$0xD240] =	vst v63  }
0xcd: {  	s12 =	simm.s32 $0x190;
	s13 =	simm.s32 $0x3840  }
0xce: {  	[tilespmem:s13], [sflag:$0x1] =	stream.indirect.gather [hbm4b:s3+s11], $0x20, s12, s11, $0xb8;
	[tilespmem:$0xD240] =	vst v63  }
0xcf: {  	s12 =	simm.s32 $0x1E0;
	s13 =	simm.s32 $0x4240  }
0xd0: {  	[tilespmem:s13], [sflag:$0x1] =	stream.indirect.gather [hbm4b:s3+s11], $0x20, s12, s11, $0xb8;
	[tilespmem:$0xD240] =	vst v63  }
0xd1: {  	s12 =	simm.s32 $0x230;
	s13 =	simm.s32 $0x4C40  }
0xd2: {  	[tilespmem:s13], [sflag:$0x1] =	stream.indirect.gather [hbm4b:s3+s11], $0x20, s12, s11, $0xb8;
	[tilespmem:$0xD240] =	vst v63  }
0xd3: {  	s12 =	simm.s32 $0x280;
	s13 =	simm.s32 $0x5640  }
0xd4: {  	[tilespmem:s13], [sflag:$0x1] =	stream.indirect.gather [hbm4b:s3+s11], $0x20, s12, s11, $0xb8;
	[tilespmem:$0xD240] =	vst v63  }
0xd5: {  	s12 =	simm.s32 $0x2D0;
	s13 =	simm.s32 $0x6040  }
0xd6: {  	[tilespmem:s13], [sflag:$0x1] =	stream.indirect.gather [hbm4b:s3+s11], $0x20, s12, s11, $0xb8;
	[tilespmem:$0xD240] =	vst v63  }
.LBB2_14:
0xd7: {  	_ =	swait.ge [sflag:s30], $0x6400  }
0xd8: {  	[sflag:s30] =	ssyncset.done $0x0  }
0xd9: {  	s6 =	simm.s32 $0x0;
	s9 =	simm.s32 $0x640;
	[sflag:s30] =	ssyncadd.s32 $0xFFFF9C00  }
.LBB2_15:
0xda: {  	v1 =	vmov s9;
	_ =	sdelay $0x3  }
0xdb: {  	s13 =	simm.s32 $0x0  }
0xdc: {  	v3 =	vld.idx.msk [tilespmem:v1+s13+$0x6480 ss:$0x1], $0xffff  }
0xdd: {  	v4 =	vld.idx.msk [tilespmem:v1+s13+$0x6460 ss:$0x1], $0xffff  }
0xde: {  	v5 =	vld.idx.msk [tilespmem:v1+s13+$0x6440 ss:$0x1], $0xffff  }
0xdf: {  	v6 =	vld.idx.msk [tilespmem:v1+s13+$0x6420 ss:$0x1], $0xffff  }
0xe0: {  	v7 =	vld.idx.msk [tilespmem:v1+s13+$0x6400 ss:$0x1], $0xffff  }
0xe1: {  	v8 =	vld.idx.msk [tilespmem:v1+s13+$0x6410 ss:$0x1], $0xffff;
	_ =	sdelay $0x1  }
0xe2: {  	v9 =	vimm.f32 $0.0e+00;
	v10 =	vld.idx.msk [tilespmem:v1+s13+$0x6430 ss:$0x1], $0xffff;
	v2 =	vunpack.i.u.bf16.f32 v3;
	v3 =	vunpack.i.l.bf16.f32 v3  }
0xe3: {  	v11 =	vunpack.i.u.bf16.f32 v5;
	v12 =	vunpack.i.u.bf16.f32 v4;
	v13 =	vunpack.i.l.bf16.f32 v4  }
0xe4: {  	v14 =	vld.idx.msk [tilespmem:v1+s13+$0x6450 ss:$0x1], $0xffff;
	v4 =	vunpack.i.u.bf16.f32 v6;
	v6 =	vunpack.i.l.bf16.f32 v6;
	v15 =	vunpack.i.l.bf16.f32 v5  }
0xe5: {  	v5 =	vunpack.i.u.bf16.f32 v7;
	v7 =	vunpack.i.l.bf16.f32 v7;
	v16 =	vunpack.i.u.bf16.f32 v8  }
0xe6: {  	v17 =	vld.idx.msk [tilespmem:v1+s13+$0x6470 ss:$0x1], $0xffff;
	v18 =	vadd.f32 v7, v9;
	v19 =	vadd.f32 v5, v9;
	v5 =	vunpack.i.l.bf16.f32 v8  }
0xe7: {  	s12 =	simm.s32 $0xA0;
	v7 =	vld.idx.msk [tilespmem:v1+s13+$0x6490 ss:$0x1], $0xffff;
	v8 =	vadd.f32 v5, v9;
	v9 =	vadd.f32 v16, v9;
	v16 =	vunpack.i.u.bf16.f32 v10  }
0xe8: {  	v5 =	vld.idx.msk [tilespmem:v1+s12+$0x6480 ss:$0x1], $0xffff;
	v18 =	vadd.f32 v6, v18;
	v19 =	vadd.f32 v4, v19;
	v4 =	vunpack.i.l.bf16.f32 v10  }
0xe9: {  	v6 =	vld.idx.msk [tilespmem:v1+s12+$0x6460 ss:$0x1], $0xffff;
	v10 =	vadd.f32 v4, v8;
	v9 =	vadd.f32 v16, v9;
	v16 =	vunpack.i.u.bf16.f32 v14  }
0xea: {  	v4 =	vld.idx.msk [tilespmem:v1+s12+$0x6440 ss:$0x1], $0xffff;
	v15 =	vadd.f32 v15, v18;
	v62 =	vadd.f32 v11, v19;
	v11 =	vunpack.i.l.bf16.f32 v14  }
0xeb: {  	v63 =	vunpack.i.u.bf16.f32 v17;
	v8 =	vld.idx.msk [tilespmem:v1+s12+$0x6420 ss:$0x1], $0xffff;
	v14 =	vadd.f32 v11, v10;
	v16 =	vadd.f32 v16, v9  }
0xec: {  	v10 =	vld.idx.msk [tilespmem:v1+s12+$0x6400 ss:$0x1], $0xffff;
	v11 =	vadd.f32 v13, v15;
	v12 =	vadd.f32 v12, v62;
	v13 =	vunpack.i.l.bf16.f32 v17  }
0xed: {  	s13 =	simm.s32 $0x500;
	v9 =	vld.idx.msk [tilespmem:v1+s12+$0x6410 ss:$0x1], $0xffff;
	v15 =	vunpack.i.u.bf16.f32 v7;
	v13 =	vadd.f32 v13, v14;
	v14 =	vadd.f32 v63, v16  }
.LBB2_16:
0xee: {  	p0 =	sne.s32 s13, $0x1680;
	v11 =	vadd.f32 v3, v11;
	v12 =	vadd.f32 v2, v12;
	v2 =	vunpack.i.l.bf16.f32 v7  }
0xef: {  	v16 =	vld.idx.msk [tilespmem:v1+s12+$0x6430 ss:$0x1], $0xffff;
	v7 =	vadd.f32 v2, v13;
	v13 =	vadd.f32 v15, v14  }
0xf0: {  	v3 =	vunpack.i.l.bf16.f32 v5;
	v2 =	vunpack.i.u.bf16.f32 v5  }
0xf1: {  	v17 =	vunpack.i.u.bf16.f32 v6;
	v18 =	vunpack.i.l.bf16.f32 v6;
	v14 =	vunpack.i.u.bf16.f32 v4;
	v15 =	vld.idx.msk [tilespmem:v1+s12+$0x6450 ss:$0x1], $0xffff  }
0xf2: {  	v19 =	vunpack.i.l.bf16.f32 v4;
	v6 =	vunpack.i.u.bf16.f32 v8;
	v8 =	vunpack.i.l.bf16.f32 v8  }
0xf3: {  	v4 =	vunpack.i.u.bf16.f32 v10;
	v5 =	vunpack.i.l.bf16.f32 v10;
	v10 =	vunpack.i.u.bf16.f32 v9;
	v20 =	vld.idx.msk [tilespmem:v1+s12+$0x6470 ss:$0x1], $0xffff  }
0xf4: {  	v11 =	vadd.f32 v5, v11;
	v4 =	vadd.f32 v4, v12;
	v5 =	vunpack.i.l.bf16.f32 v9  }
0xf5: {  	v9 =	vadd.f32 v5, v7;
	v10 =	vadd.f32 v10, v13;
	v12 =	vunpack.i.u.bf16.f32 v16;
	v7 =	vld.idx.msk [tilespmem:v1+s12+$0x6490 ss:$0x1], $0xffff;
	s12 =	sshra.s32 s13, $0x2  }
0xf6: {  	v8 =	vadd.f32 v8, v11;
	v11 =	vadd.f32 v6, v4;
	v4 =	vunpack.i.l.bf16.f32 v16;
	v5 =	vld.idx.msk [tilespmem:v1+s12+$0x6480 ss:$0x1], $0xffff  }
.Ltmp6:
0xf7: {  	v9 =	vadd.f32 v4, v9;
	v10 =	vadd.f32 v12, v10;
	v12 =	vunpack.i.u.bf16.f32 v15;
	v6 =	vld.idx.msk [tilespmem:v1+s12+$0x6460 ss:$0x1], $0xffff;
	(pc) =	sbr.rel @p0 .LBB2_16-.Ltmp6, $4  }
0xf8: {  	v13 =	vadd.f32 v19, v8;
	v14 =	vadd.f32 v14, v11;
	v11 =	vunpack.i.l.bf16.f32 v15;
	v4 =	vld.idx.msk [tilespmem:v1+s12+$0x6440 ss:$0x1], $0xffff  }
0xf9: {  	v15 =	vadd.f32 v11, v9;
	v16 =	vadd.f32 v12, v10;
	v19 =	vunpack.i.u.bf16.f32 v20;
	v8 =	vld.idx.msk [tilespmem:v1+s12+$0x6420 ss:$0x1], $0xffff  }
0xfa: {  	v11 =	vadd.f32 v18, v13;
	v12 =	vadd.f32 v17, v14;
	v13 =	vunpack.i.l.bf16.f32 v20;
	v10 =	vld.idx.msk [tilespmem:v1+s12+$0x6400 ss:$0x1], $0xffff  }
0xfb: {  	s13 =	sadd.s32 $0x280, s13;
	v13 =	vadd.f32 v13, v15;
	v14 =	vadd.f32 v19, v16;
	v15 =	vunpack.i.u.bf16.f32 v7;
	v9 =	vld.idx.msk [tilespmem:v1+s12+$0x6410 ss:$0x1], $0xffff  }
0xfc: {  	_ =	sdelay $0x1  }
0xfd: {  	v3 =	vadd.f32 v3, v11;
	v2 =	vadd.f32 v2, v12;
	v7 =	vunpack.i.l.bf16.f32 v7  }
0xfe: {  	v43 =	vunpack.i.u.bf16.f32 v5;
	v45 =	vunpack.i.l.bf16.f32 v5;
	v47 =	vunpack.i.u.bf16.f32 v6  }
0xff: {  	v44 =	vld.idx.msk [tilespmem:v1+s12+$0x6430 ss:$0x1], $0xffff;
	v48 =	vunpack.i.l.bf16.f32 v6;
	v7 =	vadd.f32 v7, v13;
	v42 =	vadd.f32 v15, v14  }
0x100: {  	v46 =	vunpack.i.u.bf16.f32 v4;
	v51 =	vunpack.i.l.bf16.f32 v4;
	v17 =	vunpack.i.l.bf16.f32 v10  }
0x101: {  	v18 =	vld.idx.msk [tilespmem:v1+s12+$0x6450 ss:$0x1], $0xffff;
	v16 =	vunpack.i.u.bf16.f32 v8;
	v50 =	vunpack.i.u.bf16.f32 v10;
	v3 =	vadd.f32 v17, v3  }
0x102: {  	v49 =	vunpack.i.l.bf16.f32 v8;
	v2 =	vadd.f32 v50, v2;
	v52 =	vunpack.i.l.bf16.f32 v9  }
0x103: {  	v54 =	vld.idx.msk [tilespmem:v1+s12+$0x6470 ss:$0x1], $0xffff;
	v53 =	vunpack.i.u.bf16.f32 v9;
	v7 =	vadd.f32 v52, v7;
	v3 =	vadd.f32 v49, v3  }
0x104: {  	v55 =	vadd.f32 v53, v42;
	v56 =	vunpack.i.l.bf16.f32 v44;
	v2 =	vadd.f32 v16, v2  }
0x105: {  	v1 =	vld.idx.msk [tilespmem:v1+s12+$0x6490 ss:$0x1], $0xffff;
	v57 =	vunpack.i.u.bf16.f32 v44;
	v7 =	vadd.f32 v56, v7;
	v3 =	vadd.f32 v51, v3  }
0x106: {  	v59 =	vunpack.i.l.bf16.f32 v18;
	v58 =	vadd.f32 v57, v55;
	v2 =	vadd.f32 v46, v2  }
0x107: {  	v60 =	vunpack.i.u.bf16.f32 v18;
	v7 =	vadd.f32 v59, v7;
	v3 =	vadd.f32 v48, v3  }
0x108: {  	s13 =	sshll.u32 s6, $0x6;
	s6 =	sadd.s32 $0x1, s6;
	v61 =	vunpack.i.l.bf16.f32 v54;
	v4 =	vadd.f32 v60, v58;
	v2 =	vadd.f32 v47, v2  }
0x109: {  	p0 =	sne.s32 s6, $0x10;
	v62 =	vunpack.i.u.bf16.f32 v54;
	v6 =	vadd.f32 v61, v7;
	v3 =	vadd.f32 v45, v3  }
.Ltmp7:
0x10a: {  	s12 =	sand.u32 $0x3FFFFFC0, s13;
	v63 =	vunpack.i.l.bf16.f32 v1;
	v4 =	vadd.f32 v62, v4;
	v2 =	vadd.f32 v43, v2;
	(pc) =	sbr.rel @p0 .LBB2_15-.Ltmp7, $4  }
0x10b: {  	v1 =	vunpack.i.u.bf16.f32 v1;
	v5 =	vadd.f32 v63, v6;
	[tilespmem:s12+$0xCE40] =	vst v3  }
0x10c: {  	v1 =	vadd.f32 v1, v4;
	[tilespmem:s12+$0xCE50] =	vst v2  }
0x10d: {  	[tilespmem:s12+$0xCE60] =	vst v5  }
0x10e: {  	s9 =	sadd.s32 $0x640, s9;
	[tilespmem:s12+$0xCE70] =	vst v1  }
0x10f: {  	s0 =	sadd.s32 $0x1, s0  }
0x110: {  	s1 =	sshll.u32 s1, $0x7;
	p0 =	sne.s32 s0, $0x10  }
.Ltmp8:
0x111: {  	s1 =	sadd.s32 s1, s7;
	(pc) =	sbr.rel @p0 .LBB2_4-.Ltmp8, $4  }
0x112: {  	[hbm4b:s1+s2] =	stream.linear.scatter [tilespmem:s29], [sflag:$0x3], $0x400, $0x38;
	[tilespmem:$0xD240] =	vst v63  }
0x113: {  	_ =	swait.ge [sflag:s10], $0x400  }
0x114: {  	[sflag:s10] =	ssyncset.done $0x0  }
0x115: {  	[sflag:s10] =	ssyncadd.s32 $0xFFFFFC00  }
0x116: {  	s1 =	rddreg [dreg:$0x6]  }
0x117: {  	s0 =	rddreg [dreg:$0x5];
	s1 =	sadd.s32 $0x1, s1  }
0x118: {  	p0 =	sne.s32 s1, s0  }
.Ltmp9:
0x119: {  	_ = 	snop;
	(pc) =	sbr.rel @p0 .LBB2_1-.Ltmp9, $1  }
0x11a: {  	_ =	sdelay $0x3  }
0x11b: {  	_ =	sfence.sel $0x180000  }
0x11c: {  	[bflag:$0x0] =	sbarrier.arrive $0xFFFF  }
0x11d: {  	_ =	strace $0x90000047  }
0x11e: {  	s0 =	stileid.u32;
	[bflag:$0x2] =	sbarrier.arrive $0xFFFF  }
0x11f: {  	p0 =	sne.s32 s0, $0x0;
	s0 =	rddreg [dreg:$0x2]  }
0x120: {  	s0 =	sadd.s32 @!p0 $0x100000, s0  }
0x121: {  	[sflag:s0] =	ssyncadd.tile.s32 @!p0 $0x1;
	_ =	shalt  }
.Lfunc_end2:
_tile_overlayer_lowered:
.L_overlay_start_2:
0x122: {  	(tag) =	ssettag $0x2  }
0x123: {  	s0 =	rddreg [dreg:$0x0];
	s2 =	stileid.u32  }
0x124: {  	s1 =	rddreg [dreg:$0x1];
	p0 =	sne.s32 s2, $0x0  }
0x125: {  	s3 =	rddreg [dreg:$0x2];
	[bflag:$0x3] =	sbarrier.arrive $0xFFFF;
	s2 =	simm.s32 @!p0 $0x1C03  }
0x126: {  	[timem:s3], [sflag:s2] =	dma.local @!p0 [hbm:s0], s1  }
0x127: {  	s0 =	simm.s32 @!p0 $0x3  }
0x128: {  	_ =	swait.ge @!p0 [sflag:s0], s1  }
0x129: {  	s1 =	ssub.s32 @!p0 $0x0, s1;
	[sflag:s0] =	ssyncset.done @!p0 $0x0  }
0x12a: {  	[sflag:s0] =	ssyncadd.s32 @!p0 s1  }
0x12b: {  	[bflag:$0x3] =	sbarrier.arrive $0xFFFF  }
0x12c: {  	_ =	shalt  }

</sc_bundles>
